<compile_context>
chip_gen: v7x
topology: tpu7x:2x2x1
jax: 0.10.2.dev20260603
libtpu: 0.0.44.dev20260713+nightly
codegen_flags: <defaults>
</compile_context>

<pallas_src>
import functools

import jax
import jax.numpy as jnp
from jax import lax
from jax.experimental import pallas as pl
from jax.experimental.pallas import tpu as pltpu
from jax.experimental.pallas import tpu_sc as plsc

T = 2048
H = 1024
E = 16
K = 2
F = 768
SF = 2816

RT = 256
ST = 2048
SFB = 256
B = 256
NT = 32
NTE = NT + 8
P = NT * B
NW = 32
TPW = T // NW



def _meta_body(h_ref, gw_ref, ids_ref, tw_ref, slots_ref, te_ref):
    logits = jnp.dot(h_ref[...], gw_ref[...], preferred_element_type=jnp.float32)
    iota_e = jax.lax.broadcasted_iota(jnp.int32, (T, E), 1)
    m1 = jnp.max(logits, axis=-1, keepdims=True)
    i1 = jnp.min(jnp.where(logits == m1, iota_e, E), axis=-1, keepdims=True)
    masked = jnp.where(iota_e == i1, -jnp.inf, logits)
    m2 = jnp.max(masked, axis=-1, keepdims=True)
    i2 = jnp.min(jnp.where(masked == m2, iota_e, E), axis=-1, keepdims=True)
    w1 = 1.0 / (1.0 + jnp.exp(m2 - m1))
    ids_ref[...] = jnp.concatenate([i1, i2], axis=1)
    tw_ref[...] = jnp.concatenate([w1, 1.0 - w1], axis=1)

    sel1 = iota_e == i1
    sel2 = iota_e == i2
    oh = (sel1 | sel2).astype(jnp.float32)

    r_io = jax.lax.broadcasted_iota(jnp.int32, (RT, RT), 0)
    c_io = jax.lax.broadcasted_iota(jnp.int32, (RT, RT), 1)
    tri = (r_io > c_io).astype(jnp.float32)

    ranks_rows = []
    base = jnp.zeros((1, E), jnp.float32)
    for b in range(T // RT):
        ohb = oh[b * RT:(b + 1) * RT]
        ranks_rows.append(jnp.dot(tri, ohb, preferred_element_type=jnp.float32) + base)
        base = base + jnp.sum(ohb, axis=0, keepdims=True)
    ranks = jnp.concatenate(ranks_rows, axis=0)
    counts = base

    ci = counts.astype(jnp.int32)
    pc = ((ci + B - 1) // B) * B
    pcf = pc.astype(jnp.float32)
    e_r = jax.lax.broadcasted_iota(jnp.int32, (E, E), 0)
    e_c = jax.lax.broadcasted_iota(jnp.int32, (E, E), 1)
    ut = (e_r <= e_c).astype(jnp.float32)
    cum_incl = jnp.dot(pcf, ut, preferred_element_type=jnp.float32)
    off = cum_incl - pcf

    slot1 = jnp.sum(jnp.where(sel1, off + ranks, 0.0), axis=-1, keepdims=True)
    slot2 = jnp.sum(jnp.where(sel2, off + ranks, 0.0), axis=-1, keepdims=True)
    slots_ref[...] = jnp.concatenate([slot1, slot2], axis=1).astype(jnp.int32)

    ti = jax.lax.broadcasted_iota(jnp.int32, (NTE, E), 0)
    crossed = (ti * B) >= cum_incl.astype(jnp.int32)
    te = jnp.minimum(jnp.sum(crossed.astype(jnp.int32), axis=-1, keepdims=True),
                     E - 1)
    n_used = cum_incl[:, E - 1:E].astype(jnp.int32) // B
    iota_r = jax.lax.broadcasted_iota(jnp.int32, (NTE, 1), 0)
    te_ref[...] = jnp.where(iota_r == NT, n_used, te)


def _route_meta(hidden_states, gate_w):
    return pl.pallas_call(
        _meta_body,
        in_specs=[
            pl.BlockSpec((T, H), lambda: (0, 0)),
            pl.BlockSpec((H, E), lambda: (0, 0)),
        ],
        out_specs=[
            pl.BlockSpec((T, K), lambda: (0, 0)),
            pl.BlockSpec((T, K), lambda: (0, 0)),
            pl.BlockSpec((T, K), lambda: (0, 0)),
            pl.BlockSpec((NTE, 1), lambda: (0, 0)),
        ],
        out_shape=[
            jax.ShapeDtypeStruct((T, K), jnp.int32),
            jax.ShapeDtypeStruct((T, K), jnp.float32),
            jax.ShapeDtypeStruct((T, K), jnp.int32),
            jax.ShapeDtypeStruct((NTE, 1), jnp.int32),
        ],
    )(hidden_states, gate_w)




@functools.lru_cache(maxsize=None)
def _sc_dispatch_kernel():
    mesh = plsc.VectorSubcoreMesh(core_axis_name="c", subcore_axis_name="s")

    @functools.partial(
        pl.kernel,
        mesh=mesh,
        out_type=jax.ShapeDtypeStruct((P, H), jnp.float32),
        scratch_types=[
            pltpu.VMEM((K, TPW), jnp.int32),
            pltpu.VMEM((TPW, H), jnp.float32),
            pltpu.SemaphoreType.DMA,
            pltpu.SemaphoreType.DMA,
        ],
    )
    def dispatch(h_hbm, idx_hbm, xs_hbm, idx_v, xbuf, sem0, sem1):
        wid = lax.axis_index("s") * 2 + lax.axis_index("c")
        base = wid * TPW
        pltpu.sync_copy(h_hbm.at[pl.ds(base, TPW)], xbuf)
        pltpu.sync_copy(idx_hbm.at[wid], idx_v)
        c0 = pltpu.async_copy(xbuf, xs_hbm.at[idx_v.at[0]], sem0)
        c1 = pltpu.async_copy(xbuf, xs_hbm.at[idx_v.at[1]], sem1)
        c0.wait()
        c1.wait()

    return dispatch


def _sc_dispatch(hidden_states, idx3):
    return _sc_dispatch_kernel()(hidden_states, idx3)


@functools.lru_cache(maxsize=None)
def _sc_combine_kernel():
    mesh = plsc.VectorSubcoreMesh(core_axis_name="c", subcore_axis_name="s")

    @functools.partial(
        pl.kernel,
        mesh=mesh,
        out_type=[
            jax.ShapeDtypeStruct((T, H), jnp.float32),
            jax.ShapeDtypeStruct((T, H), jnp.float32),
        ],
        scratch_types=[
            pltpu.VMEM((K, TPW), jnp.int32),
            pltpu.VMEM((TPW, H), jnp.float32),
            pltpu.SemaphoreType.DMA,
        ],
    )
    def combine(y_hbm, idx_hbm, c0_hbm, c1_hbm, idx_v, ybuf, sem):
        wid = lax.axis_index("s") * 2 + lax.axis_index("c")
        base = wid * TPW
        pltpu.sync_copy(idx_hbm.at[wid], idx_v)
        pltpu.async_copy(y_hbm.at[idx_v.at[0]], ybuf, sem).wait()
        pltpu.sync_copy(ybuf, c0_hbm.at[pl.ds(base, TPW)])
        pltpu.async_copy(y_hbm.at[idx_v.at[1]], ybuf, sem).wait()
        pltpu.sync_copy(ybuf, c1_hbm.at[pl.ds(base, TPW)])

    return combine


def _sc_combine(ys, idx3):
    return _sc_combine_kernel()(ys, idx3)



def _group_body(te_ref, xs_ref, wg_ref, wu_ref, wd_ref, ys_ref):
    @pl.when(pl.program_id(0) < te_ref[NT])
    def _():
        x = xs_ref[...]
        g = jnp.dot(x, wg_ref[0], preferred_element_type=jnp.float32,
                    precision=jax.lax.Precision.DEFAULT)
        u = jnp.dot(x, wu_ref[0], preferred_element_type=jnp.float32,
                    precision=jax.lax.Precision.DEFAULT)
        ys_ref[...] = jnp.dot(g * jax.lax.logistic(g) * u, wd_ref[0],
                              preferred_element_type=jnp.float32,
                              precision=jax.lax.Precision.DEFAULT)


def _grouped_mlp(te_flat, xs, w_gate, w_up, w_down):
    grid_spec = pltpu.PrefetchScalarGridSpec(
        num_scalar_prefetch=1,
        grid=(NT,),
        in_specs=[
            pl.BlockSpec((B, H), lambda i, te: (i, 0)),
            pl.BlockSpec((1, H, F), lambda i, te: (te[i], 0, 0)),
            pl.BlockSpec((1, H, F), lambda i, te: (te[i], 0, 0)),
            pl.BlockSpec((1, F, H), lambda i, te: (te[i], 0, 0)),
        ],
        out_specs=pl.BlockSpec((B, H), lambda i, te: (i, 0)),
    )
    return pl.pallas_call(
        _group_body,
        grid_spec=grid_spec,
        out_shape=jax.ShapeDtypeStruct((P, H), jnp.float32),
        compiler_params=pltpu.CompilerParams(
            dimension_semantics=("arbitrary",)),
    )(te_flat, xs, w_gate, w_up, w_down)



NFB = SF // SFB
NF1 = 6


def _shared_part_body(nf, f0, is_last, has_prev):
    def body(h_ref, wg_ref, wu_ref, wd_ref, sgw_ref, *rest):
        if has_prev:
            prev_ref, out_ref = rest
        else:
            (out_ref,) = rest
        f = pl.program_id(1)
        x = h_ref[...]
        g = jnp.dot(x, wg_ref[...], preferred_element_type=jnp.float32,
                    precision=jax.lax.Precision.DEFAULT)
        u = jnp.dot(x, wu_ref[...], preferred_element_type=jnp.float32,
                    precision=jax.lax.Precision.DEFAULT)
        part = jnp.dot(g * jax.lax.logistic(g) * u, wd_ref[...],
                       preferred_element_type=jnp.float32,
                       precision=jax.lax.Precision.DEFAULT)
        init = prev_ref[...] if has_prev else 0.0
        acc = jnp.where(f == 0, init, out_ref[...]) + part

        if is_last:
            @pl.when(f == nf - 1)
            def _():
                gate = jnp.dot(x, sgw_ref[...], preferred_element_type=jnp.float32)
                out_ref[...] = acc * jax.lax.logistic(gate)

            @pl.when(f < nf - 1)
            def _():
                out_ref[...] = acc
        else:
            out_ref[...] = acc

    return body


def _shared_part(nf, f0, is_last, hidden_states, wg, wu, wd, sgw, prev=None):
    in_specs = [
        pl.BlockSpec((ST, H), lambda t, f: (t, 0)),
        pl.BlockSpec((H, SFB), lambda t, f: (0, f + f0)),
        pl.BlockSpec((H, SFB), lambda t, f: (0, f + f0)),
        pl.BlockSpec((SFB, H), lambda t, f: (f + f0, 0)),
        pl.BlockSpec((H, 1), lambda t, f: (0, 0)),
    ]
    args = [hidden_states, wg, wu, wd, sgw]
    if prev is not None:
        in_specs.append(pl.BlockSpec((ST, H), lambda t, f: (t, 0)))
        args.append(prev)
    return pl.pallas_call(
        _shared_part_body(nf, f0, is_last, prev is not None),
        grid=(T // ST, nf),
        in_specs=in_specs,
        out_specs=pl.BlockSpec((ST, H), lambda t, f: (t, 0)),
        out_shape=jax.ShapeDtypeStruct((T, H), jnp.float32),
        compiler_params=pltpu.CompilerParams(
            dimension_semantics=("parallel", "arbitrary")),
    )(*args)



def _final_body(sh_ref, c0_ref, c1_ref, tw_ref, out_ref):
    tw = tw_ref[...]
    out_ref[...] = (sh_ref[...] + tw[:, 0:1] * c0_ref[...]
                    + tw[:, 1:2] * c1_ref[...])


def _final(shared_out, c0, c1, tw):
    return pl.pallas_call(
        _final_body,
        grid=(T // RT,),
        in_specs=[
            pl.BlockSpec((RT, H), lambda t: (t, 0)),
            pl.BlockSpec((RT, H), lambda t: (t, 0)),
            pl.BlockSpec((RT, H), lambda t: (t, 0)),
            pl.BlockSpec((RT, K), lambda t: (t, 0)),
        ],
        out_specs=pl.BlockSpec((RT, H), lambda t: (t, 0)),
        out_shape=jax.ShapeDtypeStruct((T, H), jnp.float32),
    )(shared_out, c0, c1, tw)



def kernel(hidden_states, gate_w, w_gate, w_up, w_down,
           shared_w_gate, shared_w_up, shared_w_down, shared_gate_w):
    topk_ids, topk_w, slots, te = _route_meta(hidden_states, gate_w)

    idx3 = slots.reshape(NW, TPW, K).transpose(0, 2, 1)
    te_flat = te.reshape(NTE)

    xs = _sc_dispatch(hidden_states, idx3)
    ys = _grouped_mlp(te_flat, xs, w_gate, w_up, w_down)
    shared_out = _shared_part(NFB, 0, True, hidden_states, shared_w_gate,
                              shared_w_up, shared_w_down, shared_gate_w)
    c0, c1 = _sc_combine(ys, idx3)
    out = _final(shared_out, c0, c1, topk_w)
    return out, topk_ids

# --- scband reference (transcript-rebuilt; emitter-appended) ---
"""Pipeline reference for scband-qwen3-5-sparse-moe-block-10118942949429 (READ-ONLY COPY).

The authoritative reference and input builder live on the scoring server;
editing this copy changes nothing except your own understanding.
"""

import jax, jax.numpy as jnp
import numpy as np

TOKENS = 2048
HIDDEN = 1024
EXPERTS = 16
TOPK = 2
MOE_FF = 768
SHARED_FF = 2816


def setup_inputs(seed: int = 0) -> dict:
    key = jax.random.key(seed)
    ks = jax.random.split(key, 9)
    s = 0.02
    return {
        "hidden_states": jax.random.normal(ks[0], (TOKENS, HIDDEN), dtype=jnp.float32),
        "gate_w": jax.random.normal(ks[1], (HIDDEN, EXPERTS), dtype=jnp.float32) * s,
        "w_gate": jax.random.normal(ks[2], (EXPERTS, HIDDEN, MOE_FF), dtype=jnp.float32) * s,
        "w_up": jax.random.normal(ks[3], (EXPERTS, HIDDEN, MOE_FF), dtype=jnp.float32) * s,
        "w_down": jax.random.normal(ks[4], (EXPERTS, MOE_FF, HIDDEN), dtype=jnp.float32) * s,
        "shared_w_gate": jax.random.normal(ks[5], (HIDDEN, SHARED_FF), dtype=jnp.float32) * s,
        "shared_w_up": jax.random.normal(ks[6], (HIDDEN, SHARED_FF), dtype=jnp.float32) * s,
        "shared_w_down": jax.random.normal(ks[7], (SHARED_FF, HIDDEN), dtype=jnp.float32) * s,
        "shared_gate_w": jax.random.normal(ks[8], (HIDDEN, 1), dtype=jnp.float32) * s,
    }


def reference(hidden_states, gate_w, w_gate, w_up, w_down,
              shared_w_gate, shared_w_up, shared_w_down, shared_gate_w):
    # ---- router gate (GateLogit) ----
    router_logits = hidden_states @ gate_w                     # [T, E]
    probs = jax.nn.softmax(router_logits, axis=-1)
    topk_w, topk_ids = jax.lax.top_k(probs, TOPK)              # [T, K]
    # norm_topk_prob=True -> renormalize
    topk_w = topk_w / jnp.sum(topk_w, axis=-1, keepdims=True)

    # ---- EPMoE: dispatch tokens to experts, gated-SiLU MLP, combine ----
    routed = jnp.zeros_like(hidden_states)
    num_experts = w_gate.shape[0]
    for e in range(num_experts):
        mask = (topk_ids == e)                                 # [T, K]
        we = jnp.sum(topk_w * mask, axis=-1, keepdims=True)    # [T, 1]
        h = jax.nn.silu(hidden_states @ w_gate[e]) * (hidden_states @ w_up[e])
        ye = h @ w_down[e]                                     # [T, d]
        routed = routed + ye * we

    # ---- shared expert (Qwen3MLP) with sigmoid gate ----
    shared_h = jax.nn.silu(hidden_states @ shared_w_gate) * (hidden_states @ shared_w_up)
    shared = shared_h @ shared_w_down
    gate = hidden_states @ shared_gate_w                        # [T, 1]
    shared = shared * jax.nn.sigmoid(gate)

    return routed + shared, topk_ids

if __name__ == "__main__":
    import jax
    _d = setup_inputs()
    print(jax.jit(kernel)(*tuple(_d.values())))

</pallas_src>

<mosaic_0001>
#map = affine_map<(d0, d1) -> (0, 0)>
#map1 = affine_map<(d0, d1) -> (0, 0, 0)>
module attributes {stable_mosaic.version = 14 : i64} {
  func.func @combine(%arg0: i32, %arg1: i32, %arg2: memref<8192x1024xf32, #tpu.memory_space<hbm>>, %arg3: memref<32x2x64xi32, #tpu.memory_space<hbm>>, %arg4: memref<2048x1024xf32, #tpu.memory_space<hbm>>, %arg5: memref<2048x1024xf32, #tpu.memory_space<hbm>>, %arg6: memref<2x64xi32, #tpu.memory_space<vmem>>, %arg7: memref<64x1024xf32, #tpu.memory_space<vmem>>, %arg8: memref<!tpu.dma_semaphore, #tpu.memory_space<semaphore_mem>>) attributes {dimension_semantics = [#tpu.dimension_semantics<core_parallel>, #tpu.dimension_semantics<subcore_parallel>], iteration_bounds = array<i64: 2, 16>, scalar_prefetch = 0 : i64, scratch_operands = 3 : i64, tpu.core_type = #tpu.core_type<sc_vector_subcore>, window_params = [{transform_indices = #map}, {transform_indices = #map1}, {transform_indices = #map}, {transform_indices = #map}]} {
    %mul3A = arith.constant 2 : i32
    %mul3A_0 = arith.muli %arg1, %mul3A : i32
    %add3A = arith.addi %mul3A_0, %arg0 : i32
    %mul3A_1 = arith.constant 64 : i32
    %mul3A_2 = arith.muli %add3A, %mul3A_1 : i32
    "tpu.region"() ({
      %run_scoped3A = tpu.sem_alloc : memref<!tpu.dma_semaphore, #tpu.memory_space<semaphore_mem>>
      %dma_start3A_29 = arith.constant 0 : i32
      %dma_start3A_30 = arith.constant 0 : i32
      %dma_start3A_31 = tpu.memref_slice %arg3[%add3A, %dma_start3A_29, %dma_start3A_30] : memref<32x2x64xi32, #tpu.memory_space<hbm>> -> memref<1x2x64xi32, #tpu.memory_space<hbm>>
      %dma_start3A_32 = tpu.memref_squeeze %dma_start3A_31 : memref<1x2x64xi32, #tpu.memory_space<hbm>> -> memref<2x64xi32, #tpu.memory_space<hbm>>
      %dma_start3A_33 = arith.constant 0 : i32
      %dma_start3A_34 = arith.constant 0 : i32
      %dma_start3A_35 = tpu.memref_slice %arg3[%add3A, %dma_start3A_33, %dma_start3A_34] : memref<32x2x64xi32, #tpu.memory_space<hbm>> -> memref<1x2x64xi32, #tpu.memory_space<hbm>>
      %dma_start3A_36 = tpu.memref_squeeze %dma_start3A_35 : memref<1x2x64xi32, #tpu.memory_space<hbm>> -> memref<2x64xi32, #tpu.memory_space<hbm>>
      tpu.enqueue_dma source(%dma_start3A_36 : memref<2x64xi32, #tpu.memory_space<hbm>>) target(%arg6 : memref<2x64xi32, #tpu.memory_space<vmem>>) target_semaphore(%run_scoped3A : memref<!tpu.dma_semaphore, #tpu.memory_space<semaphore_mem>>)
      %dma_wait3A_37 = arith.constant 0 : i32
      %dma_wait3A_38 = arith.constant 0 : i32
      %dma_wait3A_39 = tpu.memref_slice %arg3[%add3A, %dma_wait3A_37, %dma_wait3A_38] : memref<32x2x64xi32, #tpu.memory_space<hbm>> -> memref<1x2x64xi32, #tpu.memory_space<hbm>>
      %dma_wait3A_40 = tpu.memref_squeeze %dma_wait3A_39 : memref<1x2x64xi32, #tpu.memory_space<hbm>> -> memref<2x64xi32, #tpu.memory_space<hbm>>
      %dma_wait3A_41 = arith.constant 0 : i32
      %dma_wait3A_42 = arith.constant 0 : i32
      %dma_wait3A_43 = tpu.memref_slice %arg3[%add3A, %dma_wait3A_41, %dma_wait3A_42] : memref<32x2x64xi32, #tpu.memory_space<hbm>> -> memref<1x2x64xi32, #tpu.memory_space<hbm>>
      %dma_wait3A_44 = tpu.memref_squeeze %dma_wait3A_43 : memref<1x2x64xi32, #tpu.memory_space<hbm>> -> memref<2x64xi32, #tpu.memory_space<hbm>>
      tpu.wait_dma2 semaphore(%run_scoped3A : memref<!tpu.dma_semaphore, #tpu.memory_space<semaphore_mem>>) src(%dma_wait3A_44 : memref<2x64xi32, #tpu.memory_space<hbm>>) dst(%arg6 : memref<2x64xi32, #tpu.memory_space<vmem>>)
      tpu.yield
    }) : () -> ()
    %dma_start3A = arith.constant 0 : i32
    %dma_start3A_3 = arith.constant 0 : i32
    %dma_start3A_4 = tpu.memref_slice %arg6[%dma_start3A, %dma_start3A_3] : memref<2x64xi32, #tpu.memory_space<vmem>> -> memref<1x64xi32, #tpu.memory_space<vmem>>
    %dma_start3A_5 = tpu.memref_squeeze %dma_start3A_4 : memref<1x64xi32, #tpu.memory_space<vmem>> -> memref<64xi32, #tpu.memory_space<vmem>>
    %dma_start3A_6 = arith.constant 0 : i32
    %dma_start3A_7 = arith.constant 0 : i32
    %dma_start3A_8 = tpu.memref_slice %arg2[%dma_start3A_6, %dma_start3A_7] : memref<8192x1024xf32, #tpu.memory_space<hbm>> -> memref<8192x1024xf32, #tpu.memory_space<hbm>>
    tpu.enqueue_indirect_dma source(%dma_start3A_8 : memref<8192x1024xf32, #tpu.memory_space<hbm>>) target(%arg7 : memref<64x1024xf32, #tpu.memory_space<vmem>>) offsets(%dma_start3A_5 : memref<64xi32, #tpu.memory_space<vmem>>) semaphore(%arg8 : memref<!tpu.dma_semaphore, #tpu.memory_space<semaphore_mem>>)
    %dma_wait3A = arith.constant 0 : i32
    %dma_wait3A_9 = arith.constant 0 : i32
    %dma_wait3A_10 = tpu.memref_slice %arg6[%dma_wait3A, %dma_wait3A_9] : memref<2x64xi32, #tpu.memory_space<vmem>> -> memref<1x64xi32, #tpu.memory_space<vmem>>
    %dma_wait3A_11 = tpu.memref_squeeze %dma_wait3A_10 : memref<1x64xi32, #tpu.memory_space<vmem>> -> memref<64xi32, #tpu.memory_space<vmem>>
    %dma_wait3A_12 = arith.constant 0 : i32
    %dma_wait3A_13 = arith.constant 0 : i32
    %dma_wait3A_14 = tpu.memref_slice %arg2[%dma_wait3A_12, %dma_wait3A_13] : memref<8192x1024xf32, #tpu.memory_space<hbm>> -> memref<8192x1024xf32, #tpu.memory_space<hbm>>
    tpu.wait_indirect_dma semaphore(%arg8 : memref<!tpu.dma_semaphore, #tpu.memory_space<semaphore_mem>>) src(%dma_wait3A_14 : memref<8192x1024xf32, #tpu.memory_space<hbm>>) dst(%arg7 : memref<64x1024xf32, #tpu.memory_space<vmem>>)
    "tpu.region"() ({
      %run_scoped3A = tpu.sem_alloc : memref<!tpu.dma_semaphore, #tpu.memory_space<semaphore_mem>>
      %dma_start3A_29 = arith.constant 0 : i32
      %dma_start3A_30 = tpu.memref_slice %arg4[%mul3A_2, %dma_start3A_29] : memref<2048x1024xf32, #tpu.memory_space<hbm>> -> memref<64x1024xf32, #tpu.memory_space<hbm>>
      %dma_start3A_31 = arith.constant 0 : i32
      %dma_start3A_32 = tpu.memref_slice %arg4[%mul3A_2, %dma_start3A_31] : memref<2048x1024xf32, #tpu.memory_space<hbm>> -> memref<64x1024xf32, #tpu.memory_space<hbm>>
      tpu.enqueue_dma source(%arg7 : memref<64x1024xf32, #tpu.memory_space<vmem>>) target(%dma_start3A_32 : memref<64x1024xf32, #tpu.memory_space<hbm>>) target_semaphore(%run_scoped3A : memref<!tpu.dma_semaphore, #tpu.memory_space<semaphore_mem>>)
      %dma_wait3A_33 = arith.constant 0 : i32
      %dma_wait3A_34 = tpu.memref_slice %arg4[%mul3A_2, %dma_wait3A_33] : memref<2048x1024xf32, #tpu.memory_space<hbm>> -> memref<64x1024xf32, #tpu.memory_space<hbm>>
      %dma_wait3A_35 = arith.constant 0 : i32
      %dma_wait3A_36 = tpu.memref_slice %arg4[%mul3A_2, %dma_wait3A_35] : memref<2048x1024xf32, #tpu.memory_space<hbm>> -> memref<64x1024xf32, #tpu.memory_space<hbm>>
      tpu.wait_dma2 semaphore(%run_scoped3A : memref<!tpu.dma_semaphore, #tpu.memory_space<semaphore_mem>>) src(%arg7 : memref<64x1024xf32, #tpu.memory_space<vmem>>) dst(%dma_wait3A_36 : memref<64x1024xf32, #tpu.memory_space<hbm>>)
      tpu.yield
    }) : () -> ()
    %dma_start3A_15 = arith.constant 1 : i32
    %dma_start3A_16 = arith.constant 0 : i32
    %dma_start3A_17 = tpu.memref_slice %arg6[%dma_start3A_15, %dma_start3A_16] : memref<2x64xi32, #tpu.memory_space<vmem>> -> memref<1x64xi32, #tpu.memory_space<vmem>>
    %dma_start3A_18 = tpu.memref_squeeze %dma_start3A_17 : memref<1x64xi32, #tpu.memory_space<vmem>> -> memref<64xi32, #tpu.memory_space<vmem>>
    %dma_start3A_19 = arith.constant 0 : i32
    %dma_start3A_20 = arith.constant 0 : i32
    %dma_start3A_21 = tpu.memref_slice %arg2[%dma_start3A_19, %dma_start3A_20] : memref<8192x1024xf32, #tpu.memory_space<hbm>> -> memref<8192x1024xf32, #tpu.memory_space<hbm>>
    tpu.enqueue_indirect_dma source(%dma_start3A_21 : memref<8192x1024xf32, #tpu.memory_space<hbm>>) target(%arg7 : memref<64x1024xf32, #tpu.memory_space<vmem>>) offsets(%dma_start3A_18 : memref<64xi32, #tpu.memory_space<vmem>>) semaphore(%arg8 : memref<!tpu.dma_semaphore, #tpu.memory_space<semaphore_mem>>)
    %dma_wait3A_22 = arith.constant 1 : i32
    %dma_wait3A_23 = arith.constant 0 : i32
    %dma_wait3A_24 = tpu.memref_slice %arg6[%dma_wait3A_22, %dma_wait3A_23] : memref<2x64xi32, #tpu.memory_space<vmem>> -> memref<1x64xi32, #tpu.memory_space<vmem>>
    %dma_wait3A_25 = tpu.memref_squeeze %dma_wait3A_24 : memref<1x64xi32, #tpu.memory_space<vmem>> -> memref<64xi32, #tpu.memory_space<vmem>>
    %dma_wait3A_26 = arith.constant 0 : i32
    %dma_wait3A_27 = arith.constant 0 : i32
    %dma_wait3A_28 = tpu.memref_slice %arg2[%dma_wait3A_26, %dma_wait3A_27] : memref<8192x1024xf32, #tpu.memory_space<hbm>> -> memref<8192x1024xf32, #tpu.memory_space<hbm>>
    tpu.wait_indirect_dma semaphore(%arg8 : memref<!tpu.dma_semaphore, #tpu.memory_space<semaphore_mem>>) src(%dma_wait3A_28 : memref<8192x1024xf32, #tpu.memory_space<hbm>>) dst(%arg7 : memref<64x1024xf32, #tpu.memory_space<vmem>>)
    "tpu.region"() ({
      %run_scoped3A = tpu.sem_alloc : memref<!tpu.dma_semaphore, #tpu.memory_space<semaphore_mem>>
      %dma_start3A_29 = arith.constant 0 : i32
      %dma_start3A_30 = tpu.memref_slice %arg5[%mul3A_2, %dma_start3A_29] : memref<2048x1024xf32, #tpu.memory_space<hbm>> -> memref<64x1024xf32, #tpu.memory_space<hbm>>
      %dma_start3A_31 = arith.constant 0 : i32
      %dma_start3A_32 = tpu.memref_slice %arg5[%mul3A_2, %dma_start3A_31] : memref<2048x1024xf32, #tpu.memory_space<hbm>> -> memref<64x1024xf32, #tpu.memory_space<hbm>>
      tpu.enqueue_dma source(%arg7 : memref<64x1024xf32, #tpu.memory_space<vmem>>) target(%dma_start3A_32 : memref<64x1024xf32, #tpu.memory_space<hbm>>) target_semaphore(%run_scoped3A : memref<!tpu.dma_semaphore, #tpu.memory_space<semaphore_mem>>)
      %dma_wait3A_33 = arith.constant 0 : i32
      %dma_wait3A_34 = tpu.memref_slice %arg5[%mul3A_2, %dma_wait3A_33] : memref<2048x1024xf32, #tpu.memory_space<hbm>> -> memref<64x1024xf32, #tpu.memory_space<hbm>>
      %dma_wait3A_35 = arith.constant 0 : i32
      %dma_wait3A_36 = tpu.memref_slice %arg5[%mul3A_2, %dma_wait3A_35] : memref<2048x1024xf32, #tpu.memory_space<hbm>> -> memref<64x1024xf32, #tpu.memory_space<hbm>>
      tpu.wait_dma2 semaphore(%run_scoped3A : memref<!tpu.dma_semaphore, #tpu.memory_space<semaphore_mem>>) src(%arg7 : memref<64x1024xf32, #tpu.memory_space<vmem>>) dst(%dma_wait3A_36 : memref<64x1024xf32, #tpu.memory_space<hbm>>)
      tpu.yield
    }) : () -> ()
    return
  }
}

#map = affine_map<(d0, d1) -> (0, 0)>
#map1 = affine_map<(d0, d1) -> (0, 0, 0)>
module attributes {stable_mosaic.version = 14 : i64} {
  func.func @dispatch(%arg0: i32, %arg1: i32, %arg2: memref<2048x1024xf32, #tpu.memory_space<hbm>>, %arg3: memref<32x2x64xi32, #tpu.memory_space<hbm>>, %arg4: memref<8192x1024xf32, #tpu.memory_space<hbm>>, %arg5: memref<2x64xi32, #tpu.memory_space<vmem>>, %arg6: memref<64x1024xf32, #tpu.memory_space<vmem>>, %arg7: memref<!tpu.dma_semaphore, #tpu.memory_space<semaphore_mem>>, %arg8: memref<!tpu.dma_semaphore, #tpu.memory_space<semaphore_mem>>) attributes {dimension_semantics = [#tpu.dimension_semantics<core_parallel>, #tpu.dimension_semantics<subcore_parallel>], iteration_bounds = array<i64: 2, 16>, scalar_prefetch = 0 : i64, scratch_operands = 4 : i64, tpu.core_type = #tpu.core_type<sc_vector_subcore>, window_params = [{transform_indices = #map}, {transform_indices = #map1}, {transform_indices = #map}]} {
    %mul3A = arith.constant 2 : i32
    %mul3A_0 = arith.muli %arg1, %mul3A : i32
    %add3A = arith.addi %mul3A_0, %arg0 : i32
    %mul3A_1 = arith.constant 64 : i32
    %mul3A_2 = arith.muli %add3A, %mul3A_1 : i32
    "tpu.region"() ({
      %run_scoped3A = tpu.sem_alloc : memref<!tpu.dma_semaphore, #tpu.memory_space<semaphore_mem>>
      %dma_start3A_29 = arith.constant 0 : i32
      %dma_start3A_30 = tpu.memref_slice %arg2[%mul3A_2, %dma_start3A_29] : memref<2048x1024xf32, #tpu.memory_space<hbm>> -> memref<64x1024xf32, #tpu.memory_space<hbm>>
      %dma_start3A_31 = arith.constant 0 : i32
      %dma_start3A_32 = tpu.memref_slice %arg2[%mul3A_2, %dma_start3A_31] : memref<2048x1024xf32, #tpu.memory_space<hbm>> -> memref<64x1024xf32, #tpu.memory_space<hbm>>
      tpu.enqueue_dma source(%dma_start3A_32 : memref<64x1024xf32, #tpu.memory_space<hbm>>) target(%arg6 : memref<64x1024xf32, #tpu.memory_space<vmem>>) target_semaphore(%run_scoped3A : memref<!tpu.dma_semaphore, #tpu.memory_space<semaphore_mem>>)
      %dma_wait3A_33 = arith.constant 0 : i32
      %dma_wait3A_34 = tpu.memref_slice %arg2[%mul3A_2, %dma_wait3A_33] : memref<2048x1024xf32, #tpu.memory_space<hbm>> -> memref<64x1024xf32, #tpu.memory_space<hbm>>
      %dma_wait3A_35 = arith.constant 0 : i32
      %dma_wait3A_36 = tpu.memref_slice %arg2[%mul3A_2, %dma_wait3A_35] : memref<2048x1024xf32, #tpu.memory_space<hbm>> -> memref<64x1024xf32, #tpu.memory_space<hbm>>
      tpu.wait_dma2 semaphore(%run_scoped3A : memref<!tpu.dma_semaphore, #tpu.memory_space<semaphore_mem>>) src(%dma_wait3A_36 : memref<64x1024xf32, #tpu.memory_space<hbm>>) dst(%arg6 : memref<64x1024xf32, #tpu.memory_space<vmem>>)
      tpu.yield
    }) : () -> ()
    "tpu.region"() ({
      %run_scoped3A = tpu.sem_alloc : memref<!tpu.dma_semaphore, #tpu.memory_space<semaphore_mem>>
      %dma_start3A_29 = arith.constant 0 : i32
      %dma_start3A_30 = arith.constant 0 : i32
      %dma_start3A_31 = tpu.memref_slice %arg3[%add3A, %dma_start3A_29, %dma_start3A_30] : memref<32x2x64xi32, #tpu.memory_space<hbm>> -> memref<1x2x64xi32, #tpu.memory_space<hbm>>
      %dma_start3A_32 = tpu.memref_squeeze %dma_start3A_31 : memref<1x2x64xi32, #tpu.memory_space<hbm>> -> memref<2x64xi32, #tpu.memory_space<hbm>>
      %dma_start3A_33 = arith.constant 0 : i32
      %dma_start3A_34 = arith.constant 0 : i32
      %dma_start3A_35 = tpu.memref_slice %arg3[%add3A, %dma_start3A_33, %dma_start3A_34] : memref<32x2x64xi32, #tpu.memory_space<hbm>> -> memref<1x2x64xi32, #tpu.memory_space<hbm>>
      %dma_start3A_36 = tpu.memref_squeeze %dma_start3A_35 : memref<1x2x64xi32, #tpu.memory_space<hbm>> -> memref<2x64xi32, #tpu.memory_space<hbm>>
      tpu.enqueue_dma source(%dma_start3A_36 : memref<2x64xi32, #tpu.memory_space<hbm>>) target(%arg5 : memref<2x64xi32, #tpu.memory_space<vmem>>) target_semaphore(%run_scoped3A : memref<!tpu.dma_semaphore, #tpu.memory_space<semaphore_mem>>)
      %dma_wait3A_37 = arith.constant 0 : i32
      %dma_wait3A_38 = arith.constant 0 : i32
      %dma_wait3A_39 = tpu.memref_slice %arg3[%add3A, %dma_wait3A_37, %dma_wait3A_38] : memref<32x2x64xi32, #tpu.memory_space<hbm>> -> memref<1x2x64xi32, #tpu.memory_space<hbm>>
      %dma_wait3A_40 = tpu.memref_squeeze %dma_wait3A_39 : memref<1x2x64xi32, #tpu.memory_space<hbm>> -> memref<2x64xi32, #tpu.memory_space<hbm>>
      %dma_wait3A_41 = arith.constant 0 : i32
      %dma_wait3A_42 = arith.constant 0 : i32
      %dma_wait3A_43 = tpu.memref_slice %arg3[%add3A, %dma_wait3A_41, %dma_wait3A_42] : memref<32x2x64xi32, #tpu.memory_space<hbm>> -> memref<1x2x64xi32, #tpu.memory_space<hbm>>
      %dma_wait3A_44 = tpu.memref_squeeze %dma_wait3A_43 : memref<1x2x64xi32, #tpu.memory_space<hbm>> -> memref<2x64xi32, #tpu.memory_space<hbm>>
      tpu.wait_dma2 semaphore(%run_scoped3A : memref<!tpu.dma_semaphore, #tpu.memory_space<semaphore_mem>>) src(%dma_wait3A_44 : memref<2x64xi32, #tpu.memory_space<hbm>>) dst(%arg5 : memref<2x64xi32, #tpu.memory_space<vmem>>)
      tpu.yield
    }) : () -> ()
    %dma_start3A = arith.constant 0 : i32
    %dma_start3A_3 = arith.constant 0 : i32
    %dma_start3A_4 = tpu.memref_slice %arg5[%dma_start3A, %dma_start3A_3] : memref<2x64xi32, #tpu.memory_space<vmem>> -> memref<1x64xi32, #tpu.memory_space<vmem>>
    %dma_start3A_5 = tpu.memref_squeeze %dma_start3A_4 : memref<1x64xi32, #tpu.memory_space<vmem>> -> memref<64xi32, #tpu.memory_space<vmem>>
    %dma_start3A_6 = arith.constant 0 : i32
    %dma_start3A_7 = arith.constant 0 : i32
    %dma_start3A_8 = tpu.memref_slice %arg4[%dma_start3A_6, %dma_start3A_7] : memref<8192x1024xf32, #tpu.memory_space<hbm>> -> memref<8192x1024xf32, #tpu.memory_space<hbm>>
    tpu.enqueue_indirect_dma source(%arg6 : memref<64x1024xf32, #tpu.memory_space<vmem>>) target(%dma_start3A_8 : memref<8192x1024xf32, #tpu.memory_space<hbm>>) offsets(%dma_start3A_5 : memref<64xi32, #tpu.memory_space<vmem>>) semaphore(%arg7 : memref<!tpu.dma_semaphore, #tpu.memory_space<semaphore_mem>>)
    %dma_start3A_9 = arith.constant 1 : i32
    %dma_start3A_10 = arith.constant 0 : i32
    %dma_start3A_11 = tpu.memref_slice %arg5[%dma_start3A_9, %dma_start3A_10] : memref<2x64xi32, #tpu.memory_space<vmem>> -> memref<1x64xi32, #tpu.memory_space<vmem>>
    %dma_start3A_12 = tpu.memref_squeeze %dma_start3A_11 : memref<1x64xi32, #tpu.memory_space<vmem>> -> memref<64xi32, #tpu.memory_space<vmem>>
    %dma_start3A_13 = arith.constant 0 : i32
    %dma_start3A_14 = arith.constant 0 : i32
    %dma_start3A_15 = tpu.memref_slice %arg4[%dma_start3A_13, %dma_start3A_14] : memref<8192x1024xf32, #tpu.memory_space<hbm>> -> memref<8192x1024xf32, #tpu.memory_space<hbm>>
    tpu.enqueue_indirect_dma source(%arg6 : memref<64x1024xf32, #tpu.memory_space<vmem>>) target(%dma_start3A_15 : memref<8192x1024xf32, #tpu.memory_space<hbm>>) offsets(%dma_start3A_12 : memref<64xi32, #tpu.memory_space<vmem>>) semaphore(%arg8 : memref<!tpu.dma_semaphore, #tpu.memory_space<semaphore_mem>>)
    %dma_wait3A = arith.constant 0 : i32
    %dma_wait3A_16 = arith.constant 0 : i32
    %dma_wait3A_17 = tpu.memref_slice %arg5[%dma_wait3A, %dma_wait3A_16] : memref<2x64xi32, #tpu.memory_space<vmem>> -> memref<1x64xi32, #tpu.memory_space<vmem>>
    %dma_wait3A_18 = tpu.memref_squeeze %dma_wait3A_17 : memref<1x64xi32, #tpu.memory_space<vmem>> -> memref<64xi32, #tpu.memory_space<vmem>>
    %dma_wait3A_19 = arith.constant 0 : i32
    %dma_wait3A_20 = arith.constant 0 : i32
    %dma_wait3A_21 = tpu.memref_slice %arg4[%dma_wait3A_19, %dma_wait3A_20] : memref<8192x1024xf32, #tpu.memory_space<hbm>> -> memref<8192x1024xf32, #tpu.memory_space<hbm>>
    tpu.wait_indirect_dma semaphore(%arg7 : memref<!tpu.dma_semaphore, #tpu.memory_space<semaphore_mem>>) src(%arg6 : memref<64x1024xf32, #tpu.memory_space<vmem>>) dst(%dma_wait3A_21 : memref<8192x1024xf32, #tpu.memory_space<hbm>>)
    %dma_wait3A_22 = arith.constant 1 : i32
    %dma_wait3A_23 = arith.constant 0 : i32
    %dma_wait3A_24 = tpu.memref_slice %arg5[%dma_wait3A_22, %dma_wait3A_23] : memref<2x64xi32, #tpu.memory_space<vmem>> -> memref<1x64xi32, #tpu.memory_space<vmem>>
    %dma_wait3A_25 = tpu.memref_squeeze %dma_wait3A_24 : memref<1x64xi32, #tpu.memory_space<vmem>> -> memref<64xi32, #tpu.memory_space<vmem>>
    %dma_wait3A_26 = arith.constant 0 : i32
    %dma_wait3A_27 = arith.constant 0 : i32
    %dma_wait3A_28 = tpu.memref_slice %arg4[%dma_wait3A_26, %dma_wait3A_27] : memref<8192x1024xf32, #tpu.memory_space<hbm>> -> memref<8192x1024xf32, #tpu.memory_space<hbm>>
    tpu.wait_indirect_dma semaphore(%arg8 : memref<!tpu.dma_semaphore, #tpu.memory_space<semaphore_mem>>) src(%arg6 : memref<64x1024xf32, #tpu.memory_space<vmem>>) dst(%dma_wait3A_28 : memref<8192x1024xf32, #tpu.memory_space<hbm>>)
    return
  }
}

module attributes {stable_mosaic.version = 14 : i64} {
  func.func @_group_body(%arg0: i32, %arg1: memref<40xi32, #tpu.memory_space<smem>>, %arg2: memref<256x1024xf32, #tpu.memory_space<vmem>>, %arg3: memref<1x1024x768xf32, #tpu.memory_space<vmem>>, %arg4: memref<1x1024x768xf32, #tpu.memory_space<vmem>>, %arg5: memref<1x768x1024xf32, #tpu.memory_space<vmem>>, %arg6: memref<256x1024xf32, #tpu.memory_space<vmem>>) attributes {dimension_semantics = [#tpu.dimension_semantics<arbitrary>], iteration_bounds = array<i64: 32>, scalar_prefetch = 1 : i64, scratch_operands = 0 : i64, tpu.core_type = #tpu.core_type<tc>, window_params = [{transform_indices = @transform_0, window_bounds = array<i64: 256, 1024>}, {transform_indices = @transform_1, window_bounds = array<i64: 1, 1024, 768>}, {transform_indices = @transform_2, window_bounds = array<i64: 1, 1024, 768>}, {transform_indices = @transform_3, window_bounds = array<i64: 1, 768, 1024>}, {transform_indices = @transform_4, window_bounds = array<i64: 256, 1024>}]} {
    %get3A = arith.constant 32 : index
    %get3A_0 = memref.load %arg1[%get3A] : memref<40xi32, #tpu.memory_space<smem>>
    %lt3A = arith.cmpi slt, %arg0, %get3A_0 : i32
    %convert_element_type3A = arith.extui %lt3A : i1 to i32
    %cond3A = arith.constant 0 : i32
    %cond3A_1 = arith.cmpi ne, %convert_element_type3A, %cond3A : i32
    scf.if %cond3A_1 {
      %get3A_2 = arith.constant 0 : index
      %get3A_3 = arith.constant 0 : index
      %get3A_4 = vector.load %arg2[%get3A_2, %get3A_3] : memref<256x1024xf32, #tpu.memory_space<vmem>>, vector<256x1024xf32>
      %get3A_5 = arith.constant 0 : index
      %get3A_6 = arith.constant 0 : index
      %get3A_7 = arith.constant 0 : index
      %get3A_8 = vector.load %arg3[%get3A_5, %get3A_6, %get3A_7] : memref<1x1024x768xf32, #tpu.memory_space<vmem>>, vector<1x1024x768xf32>
      %get3A_9 = vector.shape_cast %get3A_8 : vector<1x1024x768xf32> to vector<1024x768xf32>
      %dot_general3A = arith.constant dense<0.000000e+00> : vector<256x768xf32>
      %dot_general3A_10 = tpu.matmul %get3A_4, %get3A_9, %dot_general3A {dimension_numbers = #tpu.dot_dimension_numbers<[1], [0], [0], [1], [0, 0, 1, 1], [], []>, transpose_lhs_hint = false} : vector<256x1024xf32>, vector<1024x768xf32>, vector<256x768xf32> -> vector<256x768xf32>
      %get3A_11 = arith.constant 0 : index
      %get3A_12 = arith.constant 0 : index
      %get3A_13 = arith.constant 0 : index
      %get3A_14 = vector.load %arg4[%get3A_11, %get3A_12, %get3A_13] : memref<1x1024x768xf32, #tpu.memory_space<vmem>>, vector<1x1024x768xf32>
      %get3A_15 = vector.shape_cast %get3A_14 : vector<1x1024x768xf32> to vector<1024x768xf32>
      %dot_general3A_16 = arith.constant dense<0.000000e+00> : vector<256x768xf32>
      %dot_general3A_17 = tpu.matmul %get3A_4, %get3A_15, %dot_general3A_16 {dimension_numbers = #tpu.dot_dimension_numbers<[1], [0], [0], [1], [0, 0, 1, 1], [], []>, transpose_lhs_hint = false} : vector<256x1024xf32>, vector<1024x768xf32>, vector<256x768xf32> -> vector<256x768xf32>
      %logistic3A = arith.negf %dot_general3A_10 : vector<256x768xf32>
      %logistic3A_18 = math.exp %logistic3A : vector<256x768xf32>
      %logistic3A_19 = arith.constant 1.000000e+00 : f32
      %logistic3A_20 = vector.broadcast %logistic3A_19 : f32 to vector<256x768xf32>
      %logistic3A_21 = arith.addf %logistic3A_20, %logistic3A_18 : vector<256x768xf32>
      %logistic3A_22 = arith.divf %logistic3A_20, %logistic3A_21 : vector<256x768xf32>
      %mul3A = arith.mulf %dot_general3A_10, %logistic3A_22 : vector<256x768xf32>
      %mul3A_23 = arith.mulf %mul3A, %dot_general3A_17 : vector<256x768xf32>
      %get3A_24 = arith.constant 0 : index
      %get3A_25 = arith.constant 0 : index
      %get3A_26 = arith.constant 0 : index
      %get3A_27 = vector.load %arg5[%get3A_24, %get3A_25, %get3A_26] : memref<1x768x1024xf32, #tpu.memory_space<vmem>>, vector<1x768x1024xf32>
      %get3A_28 = vector.shape_cast %get3A_27 : vector<1x768x1024xf32> to vector<768x1024xf32>
      %dot_general3A_29 = arith.constant dense<0.000000e+00> : vector<256x1024xf32>
      %dot_general3A_30 = tpu.matmul %mul3A_23, %get3A_28, %dot_general3A_29 {dimension_numbers = #tpu.dot_dimension_numbers<[1], [0], [0], [1], [0, 0, 1, 1], [], []>, transpose_lhs_hint = false} : vector<256x768xf32>, vector<768x1024xf32>, vector<256x1024xf32> -> vector<256x1024xf32>
      %swap3A = arith.constant 0 : index
      %swap3A_31 = arith.constant 0 : index
      %swap3A_32 = vector.load %arg6[%swap3A, %swap3A_31] : memref<256x1024xf32, #tpu.memory_space<vmem>>, vector<256x1024xf32>
      tpu.vector_store %arg6[%swap3A, %swap3A_31], %dot_general3A_30 {strides = array<i32>} : memref<256x1024xf32, #tpu.memory_space<vmem>>, vector<256x1024xf32>,
    } else {
    }
    return
  }
  func.func @transform_0(%arg0: i32, %arg1: memref<40xi32, #tpu.memory_space<smem>>) -> (i32, i32) {
    %c0_i32 = arith.constant 0 : i32
    %c0_i32_0 = arith.constant 0 : i32
    return %arg0, %c0_i32 : i32, i32
  }
  func.func @transform_1(%arg0: i32, %arg1: memref<40xi32, #tpu.memory_space<smem>>) -> (i32, i32, i32) {
    %get3A = arith.index_cast %arg0 : i32 to index
    %get3A_0 = memref.load %arg1[%get3A] : memref<40xi32, #tpu.memory_space<smem>>
    %c0_i32 = arith.constant 0 : i32
    %c0_i32_1 = arith.constant 0 : i32
    %c0_i32_2 = arith.constant 0 : i32
    return %get3A_0, %c0_i32, %c0_i32_1 : i32, i32, i32
  }
  func.func @transform_2(%arg0: i32, %arg1: memref<40xi32, #tpu.memory_space<smem>>) -> (i32, i32, i32) {
    %get3A = arith.index_cast %arg0 : i32 to index
    %get3A_0 = memref.load %arg1[%get3A] : memref<40xi32, #tpu.memory_space<smem>>
    %c0_i32 = arith.constant 0 : i32
    %c0_i32_1 = arith.constant 0 : i32
    %c0_i32_2 = arith.constant 0 : i32
    return %get3A_0, %c0_i32, %c0_i32_1 : i32, i32, i32
  }
  func.func @transform_3(%arg0: i32, %arg1: memref<40xi32, #tpu.memory_space<smem>>) -> (i32, i32, i32) {
    %get3A = arith.index_cast %arg0 : i32 to index
    %get3A_0 = memref.load %arg1[%get3A] : memref<40xi32, #tpu.memory_space<smem>>
    %c0_i32 = arith.constant 0 : i32
    %c0_i32_1 = arith.constant 0 : i32
    %c0_i32_2 = arith.constant 0 : i32
    return %get3A_0, %c0_i32, %c0_i32_1 : i32, i32, i32
  }
  func.func @transform_4(%arg0: i32, %arg1: memref<40xi32, #tpu.memory_space<smem>>) -> (i32, i32) {
    %c0_i32 = arith.constant 0 : i32
    %c0_i32_0 = arith.constant 0 : i32
    return %arg0, %c0_i32 : i32, i32
  }
}

module attributes {stable_mosaic.version = 14 : i64} {
  func.func @_meta_body(%arg0: memref<2048x1024xf32, #tpu.memory_space<vmem>>, %arg1: memref<1024x16xf32, #tpu.memory_space<vmem>>, %arg2: memref<2048x2xi32, #tpu.memory_space<vmem>>, %arg3: memref<2048x2xf32, #tpu.memory_space<vmem>>, %arg4: memref<2048x2xi32, #tpu.memory_space<vmem>>, %arg5: memref<40x1xi32, #tpu.memory_space<vmem>>) attributes {dimension_semantics = [], scalar_prefetch = 0 : i64, scratch_operands = 0 : i64, tpu.core_type = #tpu.core_type<tc>} {
    %get3A = arith.constant 0 : index
    %get3A_0 = arith.constant 0 : index
    %get3A_1 = vector.load %arg0[%get3A, %get3A_0] : memref<2048x1024xf32, #tpu.memory_space<vmem>>, vector<2048x1024xf32>
    %get3A_2 = arith.constant 0 : index
    %get3A_3 = arith.constant 0 : index
    %get3A_4 = vector.load %arg1[%get3A_2, %get3A_3] : memref<1024x16xf32, #tpu.memory_space<vmem>>, vector<1024x16xf32>
    %dot_general3A = arith.constant dense<0.000000e+00> : vector<2048x16xf32>
    %dot_general3A_5 = tpu.matmul %get3A_1, %get3A_4, %dot_general3A {dimension_numbers = #tpu.dot_dimension_numbers<[1], [0], [0], [1], [0, 0, 1, 1], [], []>, transpose_lhs_hint = false} : vector<2048x1024xf32>, vector<1024x16xf32>, vector<2048x16xf32> -> vector<2048x16xf32>
    %iota3A = tpu.iota {dimensions = array<i32: 1>} : vector<2048x16xi32>
    %reduce_max3A = arith.constant dense<0xFF800000> : vector<2048xf32>
    %reduce_max3A_6 = vector.multi_reduction <maximumf>, %dot_general3A_5, %reduce_max3A [1] : vector<2048x16xf32> to vector<2048xf32>
    %broadcast_in_dim3A = vector.shape_cast %reduce_max3A_6 : vector<2048xf32> to vector<2048x1xf32>
    %eq3A = vector.broadcast %broadcast_in_dim3A : vector<2048x1xf32> to vector<2048x16xf32>
    %eq3A_7 = arith.cmpf oeq, %dot_general3A_5, %eq3A : vector<2048x16xf32>
    %jit3A = arith.constant 16 : i32
    %broadcast_in_dim3A_8 = vector.broadcast %jit3A : i32 to vector<2048x16xi32>
    %select_n3A = arith.select %eq3A_7, %iota3A, %broadcast_in_dim3A_8 : vector<2048x16xi1>, vector<2048x16xi32>
    %reduce_min3A = arith.constant dense<2147483647> : vector<2048xi32>
    %reduce_min3A_9 = vector.multi_reduction <minsi>, %select_n3A, %reduce_min3A [1] : vector<2048x16xi32> to vector<2048xi32>
    %broadcast_in_dim3A_10 = vector.shape_cast %reduce_min3A_9 : vector<2048xi32> to vector<2048x1xi32>
    %eq3A_11 = vector.broadcast %broadcast_in_dim3A_10 : vector<2048x1xi32> to vector<2048x16xi32>
    %eq3A_12 = arith.cmpi eq, %iota3A, %eq3A_11 : vector<2048x16xi32>
    %jit3A_13 = arith.constant 0xFF800000 : f32
    %broadcast_in_dim3A_14 = vector.broadcast %jit3A_13 : f32 to vector<2048x16xf32>
    %select_n3A_15 = arith.select %eq3A_12, %broadcast_in_dim3A_14, %dot_general3A_5 : vector<2048x16xi1>, vector<2048x16xf32>
    %reduce_max3A_16 = arith.constant dense<0xFF800000> : vector<2048xf32>
    %reduce_max3A_17 = vector.multi_reduction <maximumf>, %select_n3A_15, %reduce_max3A_16 [1] : vector<2048x16xf32> to vector<2048xf32>
    %broadcast_in_dim3A_18 = vector.shape_cast %reduce_max3A_17 : vector<2048xf32> to vector<2048x1xf32>
    %eq3A_19 = vector.broadcast %broadcast_in_dim3A_18 : vector<2048x1xf32> to vector<2048x16xf32>
    %eq3A_20 = arith.cmpf oeq, %select_n3A_15, %eq3A_19 : vector<2048x16xf32>
    %jit3A_21 = arith.constant 16 : i32
    %broadcast_in_dim3A_22 = vector.broadcast %jit3A_21 : i32 to vector<2048x16xi32>
    %select_n3A_23 = arith.select %eq3A_20, %iota3A, %broadcast_in_dim3A_22 : vector<2048x16xi1>, vector<2048x16xi32>
    %reduce_min3A_24 = arith.constant dense<2147483647> : vector<2048xi32>
    %reduce_min3A_25 = vector.multi_reduction <minsi>, %select_n3A_23, %reduce_min3A_24 [1] : vector<2048x16xi32> to vector<2048xi32>
    %broadcast_in_dim3A_26 = vector.shape_cast %reduce_min3A_25 : vector<2048xi32> to vector<2048x1xi32>
    %sub3A = arith.subf %broadcast_in_dim3A_18, %broadcast_in_dim3A : vector<2048x1xf32>
    %exp3A = math.exp %sub3A : vector<2048x1xf32>
    %add3A = arith.constant 1.000000e+00 : f32
    %add3A_27 = vector.broadcast %add3A : f32 to vector<2048x1xf32>
    %add3A_28 = arith.addf %add3A_27, %exp3A : vector<2048x1xf32>
    %div3A = arith.constant 1.000000e+00 : f32
    %div3A_29 = vector.broadcast %div3A : f32 to vector<2048x1xf32>
    %div3A_30 = arith.divf %div3A_29, %add3A_28 : vector<2048x1xf32>
    %concatenate3A = tpu.concatenate %broadcast_in_dim3A_10, %broadcast_in_dim3A_26 in 1 : vector<2048x1xi32>, vector<2048x1xi32> -> vector<2048x2xi32>
    %swap3A = arith.constant 0 : index
    %swap3A_31 = arith.constant 0 : index
    %swap3A_32 = vector.load %arg2[%swap3A, %swap3A_31] : memref<2048x2xi32, #tpu.memory_space<vmem>>, vector<2048x2xi32>
    tpu.vector_store %arg2[%swap3A, %swap3A_31], %concatenate3A {strides = array<i32>} : memref<2048x2xi32, #tpu.memory_space<vmem>>, vector<2048x2xi32>,
    %sub3A_33 = arith.constant 1.000000e+00 : f32
    %sub3A_34 = vector.broadcast %sub3A_33 : f32 to vector<2048x1xf32>
    %sub3A_35 = arith.subf %sub3A_34, %div3A_30 : vector<2048x1xf32>
    %concatenate3A_36 = tpu.concatenate %div3A_30, %sub3A_35 in 1 : vector<2048x1xf32>, vector<2048x1xf32> -> vector<2048x2xf32>
    %swap3A_37 = arith.constant 0 : index
    %swap3A_38 = arith.constant 0 : index
    %swap3A_39 = vector.load %arg3[%swap3A_37, %swap3A_38] : memref<2048x2xf32, #tpu.memory_space<vmem>>, vector<2048x2xf32>
    tpu.vector_store %arg3[%swap3A_37, %swap3A_38], %concatenate3A_36 {strides = array<i32>} : memref<2048x2xf32, #tpu.memory_space<vmem>>, vector<2048x2xf32>,
    %eq3A_40 = vector.broadcast %broadcast_in_dim3A_10 : vector<2048x1xi32> to vector<2048x16xi32>
    %eq3A_41 = arith.cmpi eq, %iota3A, %eq3A_40 : vector<2048x16xi32>
    %eq3A_42 = vector.broadcast %broadcast_in_dim3A_26 : vector<2048x1xi32> to vector<2048x16xi32>
    %eq3A_43 = arith.cmpi eq, %iota3A, %eq3A_42 : vector<2048x16xi32>
    %or3A = arith.ori %eq3A_41, %eq3A_43 : vector<2048x16xi1>
    %convert_element_type3A = arith.extui %or3A : vector<2048x16xi1> to vector<2048x16xi32>
    %convert_element_type3A_44 = arith.sitofp %convert_element_type3A : vector<2048x16xi32> to vector<2048x16xf32>
    %iota3A_45 = tpu.iota {dimensions = array<i32: 0>} : vector<256x256xi32>
    %iota3A_46 = tpu.iota {dimensions = array<i32: 1>} : vector<256x256xi32>
    %gt3A = arith.cmpi sgt, %iota3A_45, %iota3A_46 : vector<256x256xi32>
    %convert_element_type3A_47 = arith.extui %gt3A : vector<256x256xi1> to vector<256x256xi32>
    %convert_element_type3A_48 = arith.sitofp %convert_element_type3A_47 : vector<256x256xi32> to vector<256x256xf32>
    %broadcast_in_dim3A_49 = arith.constant 0.000000e+00 : f32
    %broadcast_in_dim3A_50 = vector.broadcast %broadcast_in_dim3A_49 : f32 to vector<1x16xf32>
    %slice3A = vector.extract_strided_slice %convert_element_type3A_44 {offsets = [0, 0], sizes = [256, 16], strides = [1, 1]} : vector<2048x16xf32> to vector<256x16xf32>
    %dot_general3A_51 = arith.constant dense<0.000000e+00> : vector<256x16xf32>
    %dot_general3A_52 = tpu.matmul %convert_element_type3A_48, %slice3A, %dot_general3A_51 {dimension_numbers = #tpu.dot_dimension_numbers<[1], [0], [0], [1], [0, 0, 1, 1], [], []>, transpose_lhs_hint = false} : vector<256x256xf32>, vector<256x16xf32>, vector<256x16xf32> -> vector<256x16xf32>
    %add3A_53 = vector.broadcast %broadcast_in_dim3A_50 : vector<1x16xf32> to vector<256x16xf32>
    %add3A_54 = arith.addf %dot_general3A_52, %add3A_53 : vector<256x16xf32>
    %reduce_sum3A = arith.constant dense<0.000000e+00> : vector<16xf32>
    %reduce_sum3A_55 = vector.multi_reduction <add>, %slice3A, %reduce_sum3A [0] : vector<256x16xf32> to vector<16xf32>
    %broadcast_in_dim3A_56 = vector.shape_cast %reduce_sum3A_55 : vector<16xf32> to vector<1x16xf32>
    %add3A_57 = arith.addf %broadcast_in_dim3A_50, %broadcast_in_dim3A_56 : vector<1x16xf32>
    %slice3A_58 = vector.extract_strided_slice %convert_element_type3A_44 {offsets = [256, 0], sizes = [256, 16], strides = [1, 1]} : vector<2048x16xf32> to vector<256x16xf32>
    %dot_general3A_59 = arith.constant dense<0.000000e+00> : vector<256x16xf32>
    %dot_general3A_60 = tpu.matmul %convert_element_type3A_48, %slice3A_58, %dot_general3A_59 {dimension_numbers = #tpu.dot_dimension_numbers<[1], [0], [0], [1], [0, 0, 1, 1], [], []>, transpose_lhs_hint = false} : vector<256x256xf32>, vector<256x16xf32>, vector<256x16xf32> -> vector<256x16xf32>
    %add3A_61 = vector.broadcast %add3A_57 : vector<1x16xf32> to vector<256x16xf32>
    %add3A_62 = arith.addf %dot_general3A_60, %add3A_61 : vector<256x16xf32>
    %reduce_sum3A_63 = arith.constant dense<0.000000e+00> : vector<16xf32>
    %reduce_sum3A_64 = vector.multi_reduction <add>, %slice3A_58, %reduce_sum3A_63 [0] : vector<256x16xf32> to vector<16xf32>
    %broadcast_in_dim3A_65 = vector.shape_cast %reduce_sum3A_64 : vector<16xf32> to vector<1x16xf32>
    %add3A_66 = arith.addf %add3A_57, %broadcast_in_dim3A_65 : vector<1x16xf32>
    %slice3A_67 = vector.extract_strided_slice %convert_element_type3A_44 {offsets = [512, 0], sizes = [256, 16], strides = [1, 1]} : vector<2048x16xf32> to vector<256x16xf32>
    %dot_general3A_68 = arith.constant dense<0.000000e+00> : vector<256x16xf32>
    %dot_general3A_69 = tpu.matmul %convert_element_type3A_48, %slice3A_67, %dot_general3A_68 {dimension_numbers = #tpu.dot_dimension_numbers<[1], [0], [0], [1], [0, 0, 1, 1], [], []>, transpose_lhs_hint = false} : vector<256x256xf32>, vector<256x16xf32>, vector<256x16xf32> -> vector<256x16xf32>
    %add3A_70 = vector.broadcast %add3A_66 : vector<1x16xf32> to vector<256x16xf32>
    %add3A_71 = arith.addf %dot_general3A_69, %add3A_70 : vector<256x16xf32>
    %reduce_sum3A_72 = arith.constant dense<0.000000e+00> : vector<16xf32>
    %reduce_sum3A_73 = vector.multi_reduction <add>, %slice3A_67, %reduce_sum3A_72 [0] : vector<256x16xf32> to vector<16xf32>
    %broadcast_in_dim3A_74 = vector.shape_cast %reduce_sum3A_73 : vector<16xf32> to vector<1x16xf32>
    %add3A_75 = arith.addf %add3A_66, %broadcast_in_dim3A_74 : vector<1x16xf32>
    %slice3A_76 = vector.extract_strided_slice %convert_element_type3A_44 {offsets = [768, 0], sizes = [256, 16], strides = [1, 1]} : vector<2048x16xf32> to vector<256x16xf32>
    %dot_general3A_77 = arith.constant dense<0.000000e+00> : vector<256x16xf32>
    %dot_general3A_78 = tpu.matmul %convert_element_type3A_48, %slice3A_76, %dot_general3A_77 {dimension_numbers = #tpu.dot_dimension_numbers<[1], [0], [0], [1], [0, 0, 1, 1], [], []>, transpose_lhs_hint = false} : vector<256x256xf32>, vector<256x16xf32>, vector<256x16xf32> -> vector<256x16xf32>
    %add3A_79 = vector.broadcast %add3A_75 : vector<1x16xf32> to vector<256x16xf32>
    %add3A_80 = arith.addf %dot_general3A_78, %add3A_79 : vector<256x16xf32>
    %reduce_sum3A_81 = arith.constant dense<0.000000e+00> : vector<16xf32>
    %reduce_sum3A_82 = vector.multi_reduction <add>, %slice3A_76, %reduce_sum3A_81 [0] : vector<256x16xf32> to vector<16xf32>
    %broadcast_in_dim3A_83 = vector.shape_cast %reduce_sum3A_82 : vector<16xf32> to vector<1x16xf32>
    %add3A_84 = arith.addf %add3A_75, %broadcast_in_dim3A_83 : vector<1x16xf32>
    %slice3A_85 = vector.extract_strided_slice %convert_element_type3A_44 {offsets = [1024, 0], sizes = [256, 16], strides = [1, 1]} : vector<2048x16xf32> to vector<256x16xf32>
    %dot_general3A_86 = arith.constant dense<0.000000e+00> : vector<256x16xf32>
    %dot_general3A_87 = tpu.matmul %convert_element_type3A_48, %slice3A_85, %dot_general3A_86 {dimension_numbers = #tpu.dot_dimension_numbers<[1], [0], [0], [1], [0, 0, 1, 1], [], []>, transpose_lhs_hint = false} : vector<256x256xf32>, vector<256x16xf32>, vector<256x16xf32> -> vector<256x16xf32>
    %add3A_88 = vector.broadcast %add3A_84 : vector<1x16xf32> to vector<256x16xf32>
    %add3A_89 = arith.addf %dot_general3A_87, %add3A_88 : vector<256x16xf32>
    %reduce_sum3A_90 = arith.constant dense<0.000000e+00> : vector<16xf32>
    %reduce_sum3A_91 = vector.multi_reduction <add>, %slice3A_85, %reduce_sum3A_90 [0] : vector<256x16xf32> to vector<16xf32>
    %broadcast_in_dim3A_92 = vector.shape_cast %reduce_sum3A_91 : vector<16xf32> to vector<1x16xf32>
    %add3A_93 = arith.addf %add3A_84, %broadcast_in_dim3A_92 : vector<1x16xf32>
    %slice3A_94 = vector.extract_strided_slice %convert_element_type3A_44 {offsets = [1280, 0], sizes = [256, 16], strides = [1, 1]} : vector<2048x16xf32> to vector<256x16xf32>
    %dot_general3A_95 = arith.constant dense<0.000000e+00> : vector<256x16xf32>
    %dot_general3A_96 = tpu.matmul %convert_element_type3A_48, %slice3A_94, %dot_general3A_95 {dimension_numbers = #tpu.dot_dimension_numbers<[1], [0], [0], [1], [0, 0, 1, 1], [], []>, transpose_lhs_hint = false} : vector<256x256xf32>, vector<256x16xf32>, vector<256x16xf32> -> vector<256x16xf32>
    %add3A_97 = vector.broadcast %add3A_93 : vector<1x16xf32> to vector<256x16xf32>
    %add3A_98 = arith.addf %dot_general3A_96, %add3A_97 : vector<256x16xf32>
    %reduce_sum3A_99 = arith.constant dense<0.000000e+00> : vector<16xf32>
    %reduce_sum3A_100 = vector.multi_reduction <add>, %slice3A_94, %reduce_sum3A_99 [0] : vector<256x16xf32> to vector<16xf32>
    %broadcast_in_dim3A_101 = vector.shape_cast %reduce_sum3A_100 : vector<16xf32> to vector<1x16xf32>
    %add3A_102 = arith.addf %add3A_93, %broadcast_in_dim3A_101 : vector<1x16xf32>
    %slice3A_103 = vector.extract_strided_slice %convert_element_type3A_44 {offsets = [1536, 0], sizes = [256, 16], strides = [1, 1]} : vector<2048x16xf32> to vector<256x16xf32>
    %dot_general3A_104 = arith.constant dense<0.000000e+00> : vector<256x16xf32>
    %dot_general3A_105 = tpu.matmul %convert_element_type3A_48, %slice3A_103, %dot_general3A_104 {dimension_numbers = #tpu.dot_dimension_numbers<[1], [0], [0], [1], [0, 0, 1, 1], [], []>, transpose_lhs_hint = false} : vector<256x256xf32>, vector<256x16xf32>, vector<256x16xf32> -> vector<256x16xf32>
    %add3A_106 = vector.broadcast %add3A_102 : vector<1x16xf32> to vector<256x16xf32>
    %add3A_107 = arith.addf %dot_general3A_105, %add3A_106 : vector<256x16xf32>
    %reduce_sum3A_108 = arith.constant dense<0.000000e+00> : vector<16xf32>
    %reduce_sum3A_109 = vector.multi_reduction <add>, %slice3A_103, %reduce_sum3A_108 [0] : vector<256x16xf32> to vector<16xf32>
    %broadcast_in_dim3A_110 = vector.shape_cast %reduce_sum3A_109 : vector<16xf32> to vector<1x16xf32>
    %add3A_111 = arith.addf %add3A_102, %broadcast_in_dim3A_110 : vector<1x16xf32>
    %slice3A_112 = vector.extract_strided_slice %convert_element_type3A_44 {offsets = [1792, 0], sizes = [256, 16], strides = [1, 1]} : vector<2048x16xf32> to vector<256x16xf32>
    %dot_general3A_113 = arith.constant dense<0.000000e+00> : vector<256x16xf32>
    %dot_general3A_114 = tpu.matmul %convert_element_type3A_48, %slice3A_112, %dot_general3A_113 {dimension_numbers = #tpu.dot_dimension_numbers<[1], [0], [0], [1], [0, 0, 1, 1], [], []>, transpose_lhs_hint = false} : vector<256x256xf32>, vector<256x16xf32>, vector<256x16xf32> -> vector<256x16xf32>
    %add3A_115 = vector.broadcast %add3A_111 : vector<1x16xf32> to vector<256x16xf32>
    %add3A_116 = arith.addf %dot_general3A_114, %add3A_115 : vector<256x16xf32>
    %reduce_sum3A_117 = arith.constant dense<0.000000e+00> : vector<16xf32>
    %reduce_sum3A_118 = vector.multi_reduction <add>, %slice3A_112, %reduce_sum3A_117 [0] : vector<256x16xf32> to vector<16xf32>
    %broadcast_in_dim3A_119 = vector.shape_cast %reduce_sum3A_118 : vector<16xf32> to vector<1x16xf32>
    %add3A_120 = arith.addf %add3A_111, %broadcast_in_dim3A_119 : vector<1x16xf32>
    %concatenate3A_121 = tpu.concatenate %add3A_54, %add3A_62, %add3A_71, %add3A_80, %add3A_89, %add3A_98, %add3A_107, %add3A_116 in 0 : vector<256x16xf32>, vector<256x16xf32>, vector<256x16xf32>, vector<256x16xf32>, vector<256x16xf32>, vector<256x16xf32>, vector<256x16xf32>, vector<256x16xf32> -> vector<2048x16xf32>
    %convert_element_type3A_122 = arith.fptosi %add3A_120 : vector<1x16xf32> to vector<1x16xi32>
    %add3A_123 = arith.constant 256 : i32
    %add3A_124 = vector.broadcast %add3A_123 : i32 to vector<1x16xi32>
    %add3A_125 = arith.addi %convert_element_type3A_122, %add3A_124 : vector<1x16xi32>
    %sub3A_126 = arith.constant 1 : i32
    %sub3A_127 = vector.broadcast %sub3A_126 : i32 to vector<1x16xi32>
    %sub3A_128 = arith.subi %add3A_125, %sub3A_127 : vector<1x16xi32>
    %jit3A_129 = arith.constant 256 : i32
    %div3A_130 = vector.broadcast %jit3A_129 : i32 to vector<1x16xi32>
    %div3A_131 = arith.divsi %sub3A_128, %div3A_130 : vector<1x16xi32>
    %sign3A = arith.constant 0 : i32
    %sign3A_132 = vector.broadcast %sign3A : i32 to vector<1x16xi32>
    %sign3A_133 = arith.cmpi sgt, %sub3A_128, %sign3A_132 : vector<1x16xi32>
    %sign3A_134 = arith.extui %sign3A_133 : vector<1x16xi1> to vector<1x16xi32>
    %sign3A_135 = arith.constant 0 : i32
    %sign3A_136 = vector.broadcast %sign3A_135 : i32 to vector<1x16xi32>
    %sign3A_137 = arith.cmpi slt, %sub3A_128, %sign3A_136 : vector<1x16xi32>
    %sign3A_138 = arith.extui %sign3A_137 : vector<1x16xi1> to vector<1x16xi32>
    %sign3A_139 = arith.subi %sign3A_134, %sign3A_138 : vector<1x16xi32>
    %sign3A_140 = arith.constant 0 : i32
    %sign3A_141 = arith.cmpi sgt, %jit3A_129, %sign3A_140 : i32
    %sign3A_142 = arith.extui %sign3A_141 : i1 to i32
    %sign3A_143 = arith.constant 0 : i32
    %sign3A_144 = arith.cmpi slt, %jit3A_129, %sign3A_143 : i32
    %sign3A_145 = arith.extui %sign3A_144 : i1 to i32
    %sign3A_146 = arith.subi %sign3A_142, %sign3A_145 : i32
    %ne3A = vector.broadcast %sign3A_146 : i32 to vector<1x16xi32>
    %ne3A_147 = arith.cmpi ne, %sign3A_139, %ne3A : vector<1x16xi32>
    %rem3A = vector.broadcast %jit3A_129 : i32 to vector<1x16xi32>
    %rem3A_148 = arith.remsi %sub3A_128, %rem3A : vector<1x16xi32>
    %ne3A_149 = arith.constant 0 : i32
    %ne3A_150 = vector.broadcast %ne3A_149 : i32 to vector<1x16xi32>
    %ne3A_151 = arith.cmpi ne, %rem3A_148, %ne3A_150 : vector<1x16xi32>
    %and3A = arith.andi %ne3A_147, %ne3A_151 : vector<1x16xi1>
    %sub3A_152 = arith.constant 1 : i32
    %sub3A_153 = vector.broadcast %sub3A_152 : i32 to vector<1x16xi32>
    %sub3A_154 = arith.subi %div3A_131, %sub3A_153 : vector<1x16xi32>
    %select_n3A_155 = arith.select %and3A, %sub3A_154, %div3A_131 : vector<1x16xi1>, vector<1x16xi32>
    %mul3A = arith.constant 256 : i32
    %mul3A_156 = vector.broadcast %mul3A : i32 to vector<1x16xi32>
    %mul3A_157 = arith.muli %select_n3A_155, %mul3A_156 : vector<1x16xi32>
    %convert_element_type3A_158 = arith.sitofp %mul3A_157 : vector<1x16xi32> to vector<1x16xf32>
    %iota3A_159 = tpu.iota {dimensions = array<i32: 0>} : vector<16x16xi32>
    %iota3A_160 = tpu.iota {dimensions = array<i32: 1>} : vector<16x16xi32>
    %le3A = arith.cmpi sle, %iota3A_159, %iota3A_160 : vector<16x16xi32>
    %convert_element_type3A_161 = arith.extui %le3A : vector<16x16xi1> to vector<16x16xi32>
    %convert_element_type3A_162 = arith.sitofp %convert_element_type3A_161 : vector<16x16xi32> to vector<16x16xf32>
    %dot_general3A_163 = arith.constant dense<0.000000e+00> : vector<1x16xf32>
    %dot_general3A_164 = tpu.matmul %convert_element_type3A_158, %convert_element_type3A_162, %dot_general3A_163 {dimension_numbers = #tpu.dot_dimension_numbers<[1], [0], [0], [1], [0, 0, 1, 1], [], []>, transpose_lhs_hint = false} : vector<1x16xf32>, vector<16x16xf32>, vector<1x16xf32> -> vector<1x16xf32>
    %sub3A_165 = arith.subf %dot_general3A_164, %convert_element_type3A_158 : vector<1x16xf32>
    %add3A_166 = vector.broadcast %sub3A_165 : vector<1x16xf32> to vector<2048x16xf32>
    %add3A_167 = arith.addf %add3A_166, %concatenate3A_121 : vector<2048x16xf32>
    %jit3A_168 = arith.constant 0.000000e+00 : f32
    %broadcast_in_dim3A_169 = vector.broadcast %jit3A_168 : f32 to vector<2048x16xf32>
    %select_n3A_170 = arith.select %eq3A_41, %add3A_167, %broadcast_in_dim3A_169 : vector<2048x16xi1>, vector<2048x16xf32>
    %reduce_sum3A_171 = arith.constant dense<0.000000e+00> : vector<2048xf32>
    %reduce_sum3A_172 = vector.multi_reduction <add>, %select_n3A_170, %reduce_sum3A_171 [1] : vector<2048x16xf32> to vector<2048xf32>
    %broadcast_in_dim3A_173 = vector.shape_cast %reduce_sum3A_172 : vector<2048xf32> to vector<2048x1xf32>
    %add3A_174 = vector.broadcast %sub3A_165 : vector<1x16xf32> to vector<2048x16xf32>
    %add3A_175 = arith.addf %add3A_174, %concatenate3A_121 : vector<2048x16xf32>
    %jit3A_176 = arith.constant 0.000000e+00 : f32
    %broadcast_in_dim3A_177 = vector.broadcast %jit3A_176 : f32 to vector<2048x16xf32>
    %select_n3A_178 = arith.select %eq3A_43, %add3A_175, %broadcast_in_dim3A_177 : vector<2048x16xi1>, vector<2048x16xf32>
    %reduce_sum3A_179 = arith.constant dense<0.000000e+00> : vector<2048xf32>
    %reduce_sum3A_180 = vector.multi_reduction <add>, %select_n3A_178, %reduce_sum3A_179 [1] : vector<2048x16xf32> to vector<2048xf32>
    %broadcast_in_dim3A_181 = vector.shape_cast %reduce_sum3A_180 : vector<2048xf32> to vector<2048x1xf32>
    %concatenate3A_182 = tpu.concatenate %broadcast_in_dim3A_173, %broadcast_in_dim3A_181 in 1 : vector<2048x1xf32>, vector<2048x1xf32> -> vector<2048x2xf32>
    %convert_element_type3A_183 = arith.fptosi %concatenate3A_182 : vector<2048x2xf32> to vector<2048x2xi32>
    %swap3A_184 = arith.constant 0 : index
    %swap3A_185 = arith.constant 0 : index
    %swap3A_186 = vector.load %arg4[%swap3A_184, %swap3A_185] : memref<2048x2xi32, #tpu.memory_space<vmem>>, vector<2048x2xi32>
    tpu.vector_store %arg4[%swap3A_184, %swap3A_185], %convert_element_type3A_183 {strides = array<i32>} : memref<2048x2xi32, #tpu.memory_space<vmem>>, vector<2048x2xi32>,
    %iota3A_187 = tpu.iota {dimensions = array<i32: 0>} : vector<40x16xi32>
    %mul3A_188 = arith.constant 256 : i32
    %mul3A_189 = vector.broadcast %mul3A_188 : i32 to vector<40x16xi32>
    %mul3A_190 = arith.muli %iota3A_187, %mul3A_189 : vector<40x16xi32>
    %convert_element_type3A_191 = arith.fptosi %dot_general3A_164 : vector<1x16xf32> to vector<1x16xi32>
    %ge3A = vector.broadcast %convert_element_type3A_191 : vector<1x16xi32> to vector<40x16xi32>
    %ge3A_192 = arith.cmpi sge, %mul3A_190, %ge3A : vector<40x16xi32>
    %convert_element_type3A_193 = arith.extui %ge3A_192 : vector<40x16xi1> to vector<40x16xi32>
    %reduce_sum3A_194 = arith.constant dense<0> : vector<40xi32>
    %reduce_sum3A_195 = vector.multi_reduction <add>, %convert_element_type3A_193, %reduce_sum3A_194 [1] : vector<40x16xi32> to vector<40xi32>
    %broadcast_in_dim3A_196 = vector.shape_cast %reduce_sum3A_195 : vector<40xi32> to vector<40x1xi32>
    %min3A = arith.constant 15 : i32
    %min3A_197 = vector.broadcast %min3A : i32 to vector<40x1xi32>
    %min3A_198 = arith.minsi %broadcast_in_dim3A_196, %min3A_197 : vector<40x1xi32>
    %slice3A_199 = vector.extract_strided_slice %dot_general3A_164 {offsets = [0, 15], sizes = [1, 1], strides = [1, 1]} : vector<1x16xf32> to vector<1x1xf32>
    %convert_element_type3A_200 = arith.fptosi %slice3A_199 : vector<1x1xf32> to vector<1x1xi32>
    %jit3A_201 = arith.constant 256 : i32
    %div3A_202 = vector.broadcast %jit3A_201 : i32 to vector<1x1xi32>
    %div3A_203 = arith.divsi %convert_element_type3A_200, %div3A_202 : vector<1x1xi32>
    %sign3A_204 = arith.constant 0 : i32
    %sign3A_205 = vector.broadcast %sign3A_204 : i32 to vector<1x1xi32>
    %sign3A_206 = arith.cmpi sgt, %convert_element_type3A_200, %sign3A_205 : vector<1x1xi32>
    %sign3A_207 = arith.extui %sign3A_206 : vector<1x1xi1> to vector<1x1xi32>
    %sign3A_208 = arith.constant 0 : i32
    %sign3A_209 = vector.broadcast %sign3A_208 : i32 to vector<1x1xi32>
    %sign3A_210 = arith.cmpi slt, %convert_element_type3A_200, %sign3A_209 : vector<1x1xi32>
    %sign3A_211 = arith.extui %sign3A_210 : vector<1x1xi1> to vector<1x1xi32>
    %sign3A_212 = arith.subi %sign3A_207, %sign3A_211 : vector<1x1xi32>
    %sign3A_213 = arith.constant 0 : i32
    %sign3A_214 = arith.cmpi sgt, %jit3A_201, %sign3A_213 : i32
    %sign3A_215 = arith.extui %sign3A_214 : i1 to i32
    %sign3A_216 = arith.constant 0 : i32
    %sign3A_217 = arith.cmpi slt, %jit3A_201, %sign3A_216 : i32
    %sign3A_218 = arith.extui %sign3A_217 : i1 to i32
    %sign3A_219 = arith.subi %sign3A_215, %sign3A_218 : i32
    %ne3A_220 = vector.broadcast %sign3A_219 : i32 to vector<1x1xi32>
    %ne3A_221 = arith.cmpi ne, %sign3A_212, %ne3A_220 : vector<1x1xi32>
    %rem3A_222 = vector.broadcast %jit3A_201 : i32 to vector<1x1xi32>
    %rem3A_223 = arith.remsi %convert_element_type3A_200, %rem3A_222 : vector<1x1xi32>
    %ne3A_224 = arith.constant 0 : i32
    %ne3A_225 = vector.broadcast %ne3A_224 : i32 to vector<1x1xi32>
    %ne3A_226 = arith.cmpi ne, %rem3A_223, %ne3A_225 : vector<1x1xi32>
    %and3A_227 = arith.andi %ne3A_221, %ne3A_226 : vector<1x1xi1>
    %sub3A_228 = arith.constant 1 : i32
    %sub3A_229 = vector.broadcast %sub3A_228 : i32 to vector<1x1xi32>
    %sub3A_230 = arith.subi %div3A_203, %sub3A_229 : vector<1x1xi32>
    %select_n3A_231 = arith.select %and3A_227, %sub3A_230, %div3A_203 : vector<1x1xi1>, vector<1x1xi32>
    %iota3A_232 = tpu.iota {dimensions = array<i32: 0>} : vector<40x1xi32>
    %eq3A_233 = arith.constant 32 : i32
    %eq3A_234 = vector.broadcast %eq3A_233 : i32 to vector<40x1xi32>
    %eq3A_235 = arith.cmpi eq, %iota3A_232, %eq3A_234 : vector<40x1xi32>
    %broadcast_in_dim3A_236 = vector.shape_cast %select_n3A_231 : vector<1x1xi32> to vector<1x1xi32>
    %broadcast_in_dim3A_237 = vector.broadcast %broadcast_in_dim3A_236 : vector<1x1xi32> to vector<40x1xi32>
    %select_n3A_238 = arith.select %eq3A_235, %broadcast_in_dim3A_237, %min3A_198 : vector<40x1xi1>, vector<40x1xi32>
    %swap3A_239 = arith.constant 0 : index
    %swap3A_240 = arith.constant 0 : index
    %swap3A_241 = vector.load %arg5[%swap3A_239, %swap3A_240] : memref<40x1xi32, #tpu.memory_space<vmem>>, vector<40x1xi32>
    tpu.vector_store %arg5[%swap3A_239, %swap3A_240], %select_n3A_238 {strides = array<i32>} : memref<40x1xi32, #tpu.memory_space<vmem>>, vector<40x1xi32>,
    return
  }
}

module attributes {stable_mosaic.version = 14 : i64} {
  func.func @body(%arg0: i32, %arg1: i32, %arg2: memref<2048x1024xf32, #tpu.memory_space<vmem>>, %arg3: memref<1024x256xf32, #tpu.memory_space<vmem>>, %arg4: memref<1024x256xf32, #tpu.memory_space<vmem>>, %arg5: memref<256x1024xf32, #tpu.memory_space<vmem>>, %arg6: memref<1024x1xf32, #tpu.memory_space<vmem>>, %arg7: memref<2048x1024xf32, #tpu.memory_space<vmem>>) attributes {dimension_semantics = [#tpu.dimension_semantics<parallel>, #tpu.dimension_semantics<arbitrary>], iteration_bounds = array<i64: 1, 11>, scalar_prefetch = 0 : i64, scratch_operands = 0 : i64, tpu.core_type = #tpu.core_type<tc>, window_params = [{transform_indices = @transform_0, window_bounds = array<i64: 2048, 1024>}, {transform_indices = @transform_1, window_bounds = array<i64: 1024, 256>}, {transform_indices = @transform_2, window_bounds = array<i64: 1024, 256>}, {transform_indices = @transform_3, window_bounds = array<i64: 256, 1024>}, {pipeline_mode = #tpu.pipeline_mode<synchronous>, transform_indices = @transform_4, window_bounds = array<i64: 1024, 1>}, {transform_indices = @transform_5, window_bounds = array<i64: 2048, 1024>}]} {
    %get3A = arith.constant 0 : index
    %get3A_0 = arith.constant 0 : index
    %get3A_1 = vector.load %arg2[%get3A, %get3A_0] : memref<2048x1024xf32, #tpu.memory_space<vmem>>, vector<2048x1024xf32>
    %get3A_2 = arith.constant 0 : index
    %get3A_3 = arith.constant 0 : index
    %get3A_4 = vector.load %arg3[%get3A_2, %get3A_3] : memref<1024x256xf32, #tpu.memory_space<vmem>>, vector<1024x256xf32>
    %dot_general3A = arith.constant dense<0.000000e+00> : vector<2048x256xf32>
    %dot_general3A_5 = tpu.matmul %get3A_1, %get3A_4, %dot_general3A {dimension_numbers = #tpu.dot_dimension_numbers<[1], [0], [0], [1], [0, 0, 1, 1], [], []>, transpose_lhs_hint = false} : vector<2048x1024xf32>, vector<1024x256xf32>, vector<2048x256xf32> -> vector<2048x256xf32>
    %get3A_6 = arith.constant 0 : index
    %get3A_7 = arith.constant 0 : index
    %get3A_8 = vector.load %arg4[%get3A_6, %get3A_7] : memref<1024x256xf32, #tpu.memory_space<vmem>>, vector<1024x256xf32>
    %dot_general3A_9 = arith.constant dense<0.000000e+00> : vector<2048x256xf32>
    %dot_general3A_10 = tpu.matmul %get3A_1, %get3A_8, %dot_general3A_9 {dimension_numbers = #tpu.dot_dimension_numbers<[1], [0], [0], [1], [0, 0, 1, 1], [], []>, transpose_lhs_hint = false} : vector<2048x1024xf32>, vector<1024x256xf32>, vector<2048x256xf32> -> vector<2048x256xf32>
    %logistic3A = arith.negf %dot_general3A_5 : vector<2048x256xf32>
    %logistic3A_11 = math.exp %logistic3A : vector<2048x256xf32>
    %logistic3A_12 = arith.constant 1.000000e+00 : f32
    %logistic3A_13 = vector.broadcast %logistic3A_12 : f32 to vector<2048x256xf32>
    %logistic3A_14 = arith.addf %logistic3A_13, %logistic3A_11 : vector<2048x256xf32>
    %logistic3A_15 = arith.divf %logistic3A_13, %logistic3A_14 : vector<2048x256xf32>
    %mul3A = arith.mulf %dot_general3A_5, %logistic3A_15 : vector<2048x256xf32>
    %mul3A_16 = arith.mulf %mul3A, %dot_general3A_10 : vector<2048x256xf32>
    %get3A_17 = arith.constant 0 : index
    %get3A_18 = arith.constant 0 : index
    %get3A_19 = vector.load %arg5[%get3A_17, %get3A_18] : memref<256x1024xf32, #tpu.memory_space<vmem>>, vector<256x1024xf32>
    %dot_general3A_20 = arith.constant dense<0.000000e+00> : vector<2048x1024xf32>
    %dot_general3A_21 = tpu.matmul %mul3A_16, %get3A_19, %dot_general3A_20 {dimension_numbers = #tpu.dot_dimension_numbers<[1], [0], [0], [1], [0, 0, 1, 1], [], []>, transpose_lhs_hint = false} : vector<2048x256xf32>, vector<256x1024xf32>, vector<2048x1024xf32> -> vector<2048x1024xf32>
    %eq3A = arith.constant 0 : i32
    %eq3A_22 = arith.cmpi eq, %arg1, %eq3A : i32
    %get3A_23 = arith.constant 0 : index
    %get3A_24 = arith.constant 0 : index
    %get3A_25 = vector.load %arg7[%get3A_23, %get3A_24] : memref<2048x1024xf32, #tpu.memory_space<vmem>>, vector<2048x1024xf32>
    %jit3A = arith.constant 0.000000e+00 : f32
    %broadcast_in_dim3A = vector.broadcast %jit3A : f32 to vector<2048x1024xf32>
    %select_n3A = arith.select %eq3A_22, %broadcast_in_dim3A, %get3A_25 : vector<2048x1024xf32>
    %add3A = arith.addf %select_n3A, %dot_general3A_21 : vector<2048x1024xf32>
    %eq3A_26 = arith.constant 10 : i32
    %eq3A_27 = arith.cmpi eq, %arg1, %eq3A_26 : i32
    %convert_element_type3A = arith.extui %eq3A_27 : i1 to i32
    %cond3A = arith.constant 0 : i32
    %cond3A_28 = arith.cmpi ne, %convert_element_type3A, %cond3A : i32
    scf.if %cond3A_28 {
      %get3A_33 = arith.constant 0 : index
      %get3A_34 = arith.constant 0 : index
      %get3A_35 = vector.load %arg6[%get3A_33, %get3A_34] : memref<1024x1xf32, #tpu.memory_space<vmem>>, vector<1024x1xf32>
      %dot_general3A_36 = arith.constant dense<0.000000e+00> : vector<2048x1xf32>
      %dot_general3A_37 = tpu.matmul %get3A_1, %get3A_35, %dot_general3A_36 {dimension_numbers = #tpu.dot_dimension_numbers<[1], [0], [0], [1], [0, 0, 1, 1], [], []>, transpose_lhs_hint = false} : vector<2048x1024xf32>, vector<1024x1xf32>, vector<2048x1xf32> -> vector<2048x1xf32>
      %logistic3A_38 = arith.negf %dot_general3A_37 : vector<2048x1xf32>
      %logistic3A_39 = math.exp %logistic3A_38 : vector<2048x1xf32>
      %logistic3A_40 = arith.constant 1.000000e+00 : f32
      %logistic3A_41 = vector.broadcast %logistic3A_40 : f32 to vector<2048x1xf32>
      %logistic3A_42 = arith.addf %logistic3A_41, %logistic3A_39 : vector<2048x1xf32>
      %logistic3A_43 = arith.divf %logistic3A_41, %logistic3A_42 : vector<2048x1xf32>
      %mul3A_44 = vector.broadcast %logistic3A_43 : vector<2048x1xf32> to vector<2048x1024xf32>
      %mul3A_45 = arith.mulf %add3A, %mul3A_44 : vector<2048x1024xf32>
      %swap3A = arith.constant 0 : index
      %swap3A_46 = arith.constant 0 : index
      %swap3A_47 = vector.load %arg7[%swap3A, %swap3A_46] : memref<2048x1024xf32, #tpu.memory_space<vmem>>, vector<2048x1024xf32>
      tpu.vector_store %arg7[%swap3A, %swap3A_46], %mul3A_45 {strides = array<i32>} : memref<2048x1024xf32, #tpu.memory_space<vmem>>, vector<2048x1024xf32>,
    } else {
    }
    %lt3A = arith.constant 10 : i32
    %lt3A_29 = arith.cmpi slt, %arg1, %lt3A : i32
    %convert_element_type3A_30 = arith.extui %lt3A_29 : i1 to i32
    %cond3A_31 = arith.constant 0 : i32
    %cond3A_32 = arith.cmpi ne, %convert_element_type3A_30, %cond3A_31 : i32
    scf.if %cond3A_32 {
      %swap3A = arith.constant 0 : index
      %swap3A_33 = arith.constant 0 : index
      %swap3A_34 = vector.load %arg7[%swap3A, %swap3A_33] : memref<2048x1024xf32, #tpu.memory_space<vmem>>, vector<2048x1024xf32>
      tpu.vector_store %arg7[%swap3A, %swap3A_33], %add3A {strides = array<i32>} : memref<2048x1024xf32, #tpu.memory_space<vmem>>, vector<2048x1024xf32>,
    } else {
    }
    return
  }
  func.func @transform_0(%arg0: i32, %arg1: i32) -> (i32, i32) {
    %c0_i32 = arith.constant 0 : i32
    %c0_i32_0 = arith.constant 0 : i32
    return %arg0, %c0_i32 : i32, i32
  }
  func.func @transform_1(%arg0: i32, %arg1: i32) -> (i32, i32) {
    %add3A = arith.constant 0 : i32
    %add3A_0 = arith.addi %arg1, %add3A : i32
    %c0_i32 = arith.constant 0 : i32
    %c0_i32_1 = arith.constant 0 : i32
    return %c0_i32, %add3A_0 : i32, i32
  }
  func.func @transform_2(%arg0: i32, %arg1: i32) -> (i32, i32) {
    %add3A = arith.constant 0 : i32
    %add3A_0 = arith.addi %arg1, %add3A : i32
    %c0_i32 = arith.constant 0 : i32
    %c0_i32_1 = arith.constant 0 : i32
    return %c0_i32, %add3A_0 : i32, i32
  }
  func.func @transform_3(%arg0: i32, %arg1: i32) -> (i32, i32) {
    %add3A = arith.constant 0 : i32
    %add3A_0 = arith.addi %arg1, %add3A : i32
    %c0_i32 = arith.constant 0 : i32
    %c0_i32_1 = arith.constant 0 : i32
    return %add3A_0, %c0_i32 : i32, i32
  }
  func.func @transform_4(%arg0: i32, %arg1: i32) -> (i32, i32) {
    %c0_i32 = arith.constant 0 : i32
    %c0_i32_0 = arith.constant 0 : i32
    %c0_i32_1 = arith.constant 0 : i32
    return %c0_i32, %c0_i32_0 : i32, i32
  }
  func.func @transform_5(%arg0: i32, %arg1: i32) -> (i32, i32) {
    %c0_i32 = arith.constant 0 : i32
    %c0_i32_0 = arith.constant 0 : i32
    return %arg0, %c0_i32 : i32, i32
  }
}

module attributes {stable_mosaic.version = 14 : i64} {
  func.func @_final_body(%arg0: i32, %arg1: memref<256x1024xf32, #tpu.memory_space<vmem>>, %arg2: memref<256x1024xf32, #tpu.memory_space<vmem>>, %arg3: memref<256x1024xf32, #tpu.memory_space<vmem>>, %arg4: memref<256x2xf32, #tpu.memory_space<vmem>>, %arg5: memref<256x1024xf32, #tpu.memory_space<vmem>>) attributes {dimension_semantics = [#tpu.dimension_semantics<arbitrary>], iteration_bounds = array<i64: 8>, scalar_prefetch = 0 : i64, scratch_operands = 0 : i64, tpu.core_type = #tpu.core_type<tc>, window_params = [{transform_indices = @transform_0, window_bounds = array<i64: 256, 1024>}, {transform_indices = @transform_1, window_bounds = array<i64: 256, 1024>}, {transform_indices = @transform_2, window_bounds = array<i64: 256, 1024>}, {transform_indices = @transform_3, window_bounds = array<i64: 256, 2>}, {transform_indices = @transform_4, window_bounds = array<i64: 256, 1024>}]} {
    %get3A = arith.constant 0 : index
    %get3A_0 = arith.constant 0 : index
    %get3A_1 = vector.load %arg4[%get3A, %get3A_0] : memref<256x2xf32, #tpu.memory_space<vmem>>, vector<256x2xf32>
    %get3A_2 = arith.constant 0 : index
    %get3A_3 = arith.constant 0 : index
    %get3A_4 = vector.load %arg1[%get3A_2, %get3A_3] : memref<256x1024xf32, #tpu.memory_space<vmem>>, vector<256x1024xf32>
    %slice3A = vector.extract_strided_slice %get3A_1 {offsets = [0, 0], sizes = [256, 1], strides = [1, 1]} : vector<256x2xf32> to vector<256x1xf32>
    %get3A_5 = arith.constant 0 : index
    %get3A_6 = arith.constant 0 : index
    %get3A_7 = vector.load %arg2[%get3A_5, %get3A_6] : memref<256x1024xf32, #tpu.memory_space<vmem>>, vector<256x1024xf32>
    %mul3A = vector.broadcast %slice3A : vector<256x1xf32> to vector<256x1024xf32>
    %mul3A_8 = arith.mulf %mul3A, %get3A_7 : vector<256x1024xf32>
    %add3A = arith.addf %get3A_4, %mul3A_8 : vector<256x1024xf32>
    %slice3A_9 = vector.extract_strided_slice %get3A_1 {offsets = [0, 1], sizes = [256, 1], strides = [1, 1]} : vector<256x2xf32> to vector<256x1xf32>
    %get3A_10 = arith.constant 0 : index
    %get3A_11 = arith.constant 0 : index
    %get3A_12 = vector.load %arg3[%get3A_10, %get3A_11] : memref<256x1024xf32, #tpu.memory_space<vmem>>, vector<256x1024xf32>
    %mul3A_13 = vector.broadcast %slice3A_9 : vector<256x1xf32> to vector<256x1024xf32>
    %mul3A_14 = arith.mulf %mul3A_13, %get3A_12 : vector<256x1024xf32>
    %add3A_15 = arith.addf %add3A, %mul3A_14 : vector<256x1024xf32>
    %swap3A = arith.constant 0 : index
    %swap3A_16 = arith.constant 0 : index
    %swap3A_17 = vector.load %arg5[%swap3A, %swap3A_16] : memref<256x1024xf32, #tpu.memory_space<vmem>>, vector<256x1024xf32>
    tpu.vector_store %arg5[%swap3A, %swap3A_16], %add3A_15 {strides = array<i32>} : memref<256x1024xf32, #tpu.memory_space<vmem>>, vector<256x1024xf32>,
    return
  }
  func.func @transform_0(%arg0: i32) -> (i32, i32) {
    %c0_i32 = arith.constant 0 : i32
    %c0_i32_0 = arith.constant 0 : i32
    return %arg0, %c0_i32 : i32, i32
  }
  func.func @transform_1(%arg0: i32) -> (i32, i32) {
    %c0_i32 = arith.constant 0 : i32
    %c0_i32_0 = arith.constant 0 : i32
    return %arg0, %c0_i32 : i32, i32
  }
  func.func @transform_2(%arg0: i32) -> (i32, i32) {
    %c0_i32 = arith.constant 0 : i32
    %c0_i32_0 = arith.constant 0 : i32
    return %arg0, %c0_i32 : i32, i32
  }
  func.func @transform_3(%arg0: i32) -> (i32, i32) {
    %c0_i32 = arith.constant 0 : i32
    %c0_i32_0 = arith.constant 0 : i32
    return %arg0, %c0_i32 : i32, i32
  }
  func.func @transform_4(%arg0: i32) -> (i32, i32) {
    %c0_i32 = arith.constant 0 : i32
    %c0_i32_0 = arith.constant 0 : i32
    return %arg0, %c0_i32 : i32, i32
  }
}

</mosaic_0001>

<sc_bundles>
// kernel: kernel.11.cloned.1.call-start
scs
__scs_entry_jumppad:
0x0: {  	(pc) =	sbr.rel $0x88, $3  }
0x1: {  	(tag) =	ssettag $0x0;
	lr =	simm.s32 $0x1  }
0x2: {  	[smem:$0x3F98] =	sst lr;
	_ =	strace $0xD0000000  }
0x3: {  	_ = 	snop  }
0x4: {  	_ = 	snop  }
0x5: {  	_ = 	snop  }
0x6: {  	_ = 	snop  }
0x7: {  	_ = 	snop  }
__scs_overlays_trampoline_lowered:
0x8: {  	[smem:$0x3FA7] =	sst s0  }
0x9: {  	[smem:$0x3FA8] =	sst s1  }
0xa: {  	[smem:$0x3FA9] =	sst s2  }
0xb: {  	[smem:$0x3FAA] =	sst s3  }
0xc: {  	[smem:$0x3FAB] =	sst s4  }
0xd: {  	[smem:$0x3FAC] =	sst s5  }
0xe: {  	[smem:$0x3FAD] =	sst s6  }
0xf: {  	[smem:$0x3FAE] =	sst s7  }
0x10: {  	[smem:$0x3FAF] =	sst s8  }
0x11: {  	[smem:$0x3FB0] =	sst s9;
	s0 =	simm.s32 @!p0 $0x0  }
0x12: {  	s1 =	sld [smem:$0x3F96];
	s0 =	simm.s32 @p0 $0x1  }
0x13: {  	[smem:$0x3FB1] =	sst s0;
	s0 =	simm.s32 @!p1 $0x0  }
0x14: {  	s2 =	sld [smem:$0x3F95];
	s0 =	simm.s32 @p1 $0x1  }
0x15: {  	[smem:$0x3FB2] =	sst s0;
	s0 =	simm.s32 @!p2 $0x0  }
0x16: {  	s3 =	sld [smem:$0x3FDB];
	s0 =	simm.s32 @p2 $0x1  }
0x17: {  	s4 =	simm.s32 $0x1BF5;
	[smem:$0x3FB4] =	sst s0  }
0x18: {  	s0 =	sld [smem:$0x3F97];
	_ =	swait.ge [sflag:s4], $0x0  }
0x19: {  	s7 =	sld [smem:$0x3F98]  }
0x1a: {  	s8 =	sadd.s32 $0xFFFFE003, lr  }
0x1b: {  	s9 =	sadd.s32 $0xFFFFFEF7, lr;
	s5 =	simm.s32 $0xFFFFFFFF;
	p2 =	slt.u32 s8, $0xFFFFF086  }
0x1c: {  	p1 =	slt.u32 s9, $0xF7A;
	s5 =	simm.s32 @!p2 $0x0  }
0x1d: {  	s5 =	simm.s32 @p1 $0x1;
	p0 =	seq.s32 s7, s2  }
0x1e: {  	s7 =	smul.u32 @!p0 $0xF7A, s2;
	p2 =	seq.s32 @!p0 s5, $0x0  }
0x1f: {  	s9 =	smul.u32 $0xF7A, s1;
	s8 =	simm.s32 @!p0 $0x1BF5;
	p2 =	por !p2, p0  }
0x20: {  	[sflag:s8] =	ssyncset.s32 @!p0 $0xFFFFF086;
	s6 =	sadd.s32 @!p0 s3, s7;
	s7 =	simm.s32 @!p0 $0x108  }
0x21: {  	s3 =	sadd.s32 s3, s9;
	s6 =	sadd.s32 @!p0 $0x88, s6;
	s7 =	simm.s32 @p2 $0x1082  }
0x22: {  	[simem:s7], [sflag:s8] =	dma.local @!p0 [hbm:s6], $0xF7A  }
0x23: {  	s9 =	sor.u32 $0xD0000000, s2;
	s6 =	simm.s32 $0x108;
	_ =	swait.ge @!p0 [sflag:s8], $0x0  }
0x24: {  	s3 =	sadd.s32 $0x88, s3;
	s6 =	simm.s32 @!p1 $0x1082;
	[sflag:s4] =	ssyncset.s32 $0xFFFFF086  }
0x25: {  	[simem:s6], [sflag:s4] =	dma.local [hbm:s3], $0xF7A  }
0x26: {  	[smem:$0x3F98] =	sst s1;
	(tag) =	ssettag s2;
	_ =	strace s9  }
0x27: {  	s1 =	sld [smem:$0x3FA8]  }
0x28: {  	s2 =	sld [smem:$0x3FA9]  }
0x29: {  	s4 =	sld [smem:$0x3FAB]  }
0x2a: {  	p0 =	seq.s32 s5, $0x0;
	s5 =	sld [smem:$0x3FAC]  }
0x2b: {  	s6 =	sld [smem:$0x3FAD]  }
0x2c: {  	s7 =	sld [smem:$0x3FAE]  }
0x2d: {  	s3 =	simm.s32 $0x108;
	s8 =	sld [smem:$0x3FAF]  }
0x2e: {  	s3 =	simm.s32 @!p0 $0x1082;
	s9 =	sld [smem:$0x3FB0]  }
0x2f: {  	lr =	sadd.s32 s0, s3;
	s0 =	sld [smem:$0x3FA7]  }
0x30: {  	s3 =	sld [smem:$0x3FAA]  }
0x31: {  	[smem:$0x3FB3] =	sst s10  }
0x32: {  	s10 =	sld [smem:$0x3FB1];
	_ =	sdelay $0x3  }
0x33: {  	p0 =	seq.s32 s10, $0x1;
	s10 =	sld [smem:$0x3FB3];
	_ =	sdelay $0x3  }
0x34: {  	[smem:$0x3FB3] =	sst s10  }
0x35: {  	s10 =	sld [smem:$0x3FB2];
	_ =	sdelay $0x3  }
0x36: {  	p1 =	seq.s32 s10, $0x1;
	s10 =	sld [smem:$0x3FB3];
	_ =	sdelay $0x3  }
0x37: {  	[smem:$0x3FB3] =	sst s10  }
0x38: {  	s10 =	sld [smem:$0x3FB4]  }
0x39: {  	_ = 	snop;
	(pc) =	sbr.ind lr, $3  }
0x3a: {  	_ = 	snop  }
0x3b: {  	_ = 	snop  }
0x3c: {  	p2 =	seq.s32 s10, $0x1;
	s10 =	sld [smem:$0x3FB3]  }
0x3d: {  	_ =	shalt  }
0x3e: {  	_ =	shalt  }
0x3f: {  	_ =	shalt  }
0x40: {  	_ =	shalt  }
0x41: {  	_ =	shalt  }
0x42: {  	_ =	shalt  }
0x43: {  	_ =	shalt  }
0x44: {  	_ =	shalt  }
0x45: {  	_ =	shalt  }
0x46: {  	_ =	shalt  }
0x47: {  	_ =	shalt  }
0x48: {  	_ =	shalt  }
0x49: {  	_ =	shalt  }
0x4a: {  	_ =	shalt  }
0x4b: {  	_ =	shalt  }
0x4c: {  	_ =	shalt  }
0x4d: {  	_ =	shalt  }
0x4e: {  	_ =	shalt  }
0x4f: {  	_ =	shalt  }
0x50: {  	_ =	shalt  }
0x51: {  	_ =	shalt  }
0x52: {  	_ =	shalt  }
0x53: {  	_ =	shalt  }
0x54: {  	_ =	shalt  }
0x55: {  	_ =	shalt  }
0x56: {  	_ =	shalt  }
0x57: {  	_ =	shalt  }
0x58: {  	_ =	shalt  }
0x59: {  	_ =	shalt  }
0x5a: {  	_ =	shalt  }
0x5b: {  	_ =	shalt  }
0x5c: {  	_ =	shalt  }
0x5d: {  	_ =	shalt  }
0x5e: {  	_ =	shalt  }
0x5f: {  	_ =	shalt  }
0x60: {  	_ =	shalt  }
0x61: {  	_ =	shalt  }
0x62: {  	_ =	shalt  }
0x63: {  	_ =	shalt  }
0x64: {  	_ =	shalt  }
0x65: {  	_ =	shalt  }
0x66: {  	_ =	shalt  }
0x67: {  	_ =	shalt  }
0x68: {  	_ =	shalt  }
0x69: {  	_ =	shalt  }
0x6a: {  	_ =	shalt  }
0x6b: {  	_ =	shalt  }
0x6c: {  	_ =	shalt  }
0x6d: {  	_ =	shalt  }
0x6e: {  	_ =	shalt  }
0x6f: {  	_ =	shalt  }
0x70: {  	_ =	shalt  }
0x71: {  	_ =	shalt  }
0x72: {  	_ =	shalt  }
0x73: {  	_ =	shalt  }
0x74: {  	_ =	shalt  }
0x75: {  	_ =	shalt  }
0x76: {  	_ =	shalt  }
0x77: {  	_ =	shalt  }
0x78: {  	_ =	shalt  }
0x79: {  	_ =	shalt  }
0x7a: {  	_ =	shalt  }
0x7b: {  	_ =	shalt  }
0x7c: {  	_ =	shalt  }
0x7d: {  	_ =	shalt  }
0x7e: {  	_ =	shalt  }
0x7f: {  	_ =	shalt  }
0x80: {  	_ =	shalt  }
0x81: {  	_ =	shalt  }
0x82: {  	_ =	shalt  }
0x83: {  	_ =	shalt  }
0x84: {  	_ =	shalt  }
0x85: {  	_ =	shalt  }
0x86: {  	_ =	shalt  }
0x87: {  	_ =	shalt  }
.Lfunc_end0:
.L_simem_size_0:
called_computation.1_lowered:
.L_overlay_start_0:
0x88: {  	s2 =	sld [smem:$0x3FD9]  }
0x89: {  	s3 =	sld [smem:$0x3FFE];
	_ =	sdelay $0x1  }
0x8a: {  	s1 =	srdreg.scid  }
0x8b: {  	s0 =	sand.u32 $0x1, s1  }
0x8c: {  	s16 =	sshll.u32 s0, $0xA;
	s2 =	sadd.s32 s3, s2  }
0x8d: {  	s2 =	sadd.s32 s2, s16  }
0x8e: {  	[smem:$0x3FBF] =	sst s2  }
0x8f: {  	_ = 	snop  }
0x90: {  	(tm) =	ssettm $0x1  }
0x91: {  	s17 =	sld [smem:$0x3FFB];
	_ =	sdelay $0x3  }
0x92: {  	_ =	strace s17  }
0x93: {  	s2 =	sld [smem:$0x3FFC];
	_ =	sdelay $0x3  }
0x94: {  	_ =	strace s2  }
0x95: {  	s2 =	sld [smem:$0x3FFD];
	_ =	sdelay $0x3  }
0x96: {  	_ =	strace s2  }
0x97: {  	_ =	strace $0x8FFFFFFF  }
0x98: {  	s18 =	sld [smem:$0x3FDB];
	_ =	sdelay $0x1  }
0x99: {  	s19 =	simm.s32 $_scs_section_size  }
0x9a: {  	s4 =	simm.s32 $_size__tile_overlayer_lowered;
	s5 =	simm.s32 $_tile_overlayer_lowered  }
0x9b: {  	s22 =	simm.s32 $0x1BFF;
	s21 =	sshll.u32 s5, $0x1;
	s2 =	sadd.s32 s19, s18  }
0x9c: {  	s6 =	simm.s32 $0x0;
	s20 =	sshll.u32 s4, $0x1;
	s4 =	sadd.s32 s21, s2  }
0x9d: {  	[timem:s6], [sflag:s22] =	dma.local [hbm:s4], s20  }
0x9e: {  	_ =	swait.ge [sflag:s22], s20  }
0x9f: {  	s3 =	ssub.s32 $0x0, s20;
	[sflag:s22] =	ssyncset.done $0x0  }
0xa0: {  	[sflag:s22] =	ssyncadd.s32 s3;
	_ =	sdelay $0x1  }
0xa1: {  	s23 =	simm.s32 $0x1B8B  }
0xa2: {  	_ =	swait.ge [sflag:s23], $0x1  }
0xa3: {  	[sflag:s23] =	ssyncset.done $0x0  }
0xa4: {  	s25 =	simm.s32 $0x1B8E;
	s24 =	sld [smem:$0x3FFE];
	[sflag:s23] =	ssyncadd.s32 $0xFFFFFFFF  }
0xa5: {  	s26 =	simm.s32 $execute0_lowered;
	[smem:$0x3FD2] =	sst s25  }
0xa6: {  	s4 =	sshll.u32 s26, $0x1;
	_ =	strace $0x80000049;
	[dreg:$0x1] =	wrdreg $0xFFFFFFFF  }
0xa7: {  	s28 =	simm.s32 $_size_execute0_lowered;
	s2 =	sadd.s32 s2, s4;
	[dreg:$0x0] =	wrdreg $0x0  }
0xa8: {  	s4 =	sshll.u32 s28, $0x1;
	[dreg:$0x2] =	wrdreg s2  }
0xa9: {  	[dreg:$0x3] =	wrdreg s4  }
0xaa: {  	[dreg:$0x4] =	wrdreg $0xC0  }
0xab: {  	_ =	task [dreg:s6], $0x5FFFF  }
0xac: {  	[dreg:$0x1] =	wrdreg $0xFFFFFFFF  }
0xad: {  	[dreg:$0x0] =	wrdreg $0x60  }
0xae: {  	[dreg:$0x2] =	wrdreg s24  }
0xaf: {  	[dreg:$0x3] =	wrdreg $0x9  }
0xb0: {  	_ =	task.clear_ibuf [dreg:s6], $0x4FFFF;
	_ =	strace $0x90000049  }
0xb1: {  	s29 =	simm.s32 $0x9;
	_ =	strace $0x8000004B  }
0xb2: {  	_ =	swait.ge [sflag:s29], $0x1  }
0xb3: {  	[sflag:s29] =	ssyncadd.s32 $0xFFFFFFFF  }
0xb4: {  	_ =	strace $0x9000004B  }
0xb5: {  	_ =	sfence  }
0xb6: {  	s30 =	sld [smem:$0x0];
	_ =	sdelay $0x2  }
0xb7: {  	s31 =	sshll.u32 s1, $0xD;
	s1 =	sshrl.u32 s1, $0x2  }
0xb8: {  	s3 =	sand.u32 $0x4000, s31;
	s1 =	sadd.s32 s1, s30  }
0xb9: {  	s0 =	sor.u32 s3, s0;
	s1 =	sshll.u32 s1, $0x11  }
0xba: {  	s0 =	sor.u32 s1, s0  }
0xbb: {  	s0 =	sadd.s32 $0x8F2B, s0  }
0xbc: {  	[sflag:s0] =	ssyncadd.remote.s32 $0x1  }
0xbd: {  	_ =	sfence.sel $0xFFFF  }
0xbe: {  	[dreg:$0x0] =	wrdreg $0xFFFFFFFF;
	(pc) =	sbr.abs _section_cstart, $3  }
0xbf: {  	[dreg:$0x1] =	wrdreg $0xFFFFFFFF  }
0xc0: {  	_ =	task.clear_ibuf [dreg:s6], $0x2FFFF;
	_ =	strace $0x9FFFFFFF  }
0xc1: {  	(tm) =	ssettm $0x7FFFFFFF  }
tec
execute0_lowered:
.L_overlay_start_1:
0x0: {  	(tag) =	ssettag $0x1  }
0x1: {  	s0 =	rddreg [dreg:$0x0];
	s2 =	simm.s32 $0x0  }
0x2: {  	s1 =	srdreg.scid;
	s3 =	stileid.u32;
	s18 =	simm.s32 $0x1  }
0x3: {  	s20 =	simm.s32 $0x900;
	s21 =	simm.s32 $0x1100;
	s22 =	simm.s32 $0x1900  }
0x4: {  	s23 =	simm.s32 $0x2100;
	s24 =	simm.s32 $0x2900;
	s28 =	simm.s32 $0x4100  }
0x5: {  	s29 =	simm.s32 $0x4900;
	s30 =	simm.s32 $0x5100;
	s31 =	simm.s32 $0x5900  }
0x6: {  	s10 =	simm.s32 $0x7100;
	s11 =	simm.s32 $0x7900;
	s12 =	simm.s32 $0x8100  }
0x7: {  	s13 =	simm.s32 $0x8900;
	s14 =	simm.s32 $0x9100;
	s15 =	simm.s32 $0x9900  }
0x8: {  	s16 =	simm.s32 $0xA100;
	s17 =	simm.s32 $0xA900;
	s9 =	simm.s32 $0xB100  }
0x9: {  	[smem:$0x7FF] =	sst s2;
	s1 =	sand.u32 $0x1, s1;
	s4 =	sshll.u32 s3, $0x1  }
0xa: {  	s3 =	sadd.s32 $0x102000, s0;
	s6 =	sadd.s32 $0x102300, s0;
	s4 =	sor.u32 s1, s4  }
0xb: {  	_ =	strace $0x8000004A;
	s1 =	ssub.s32 $0x2, s1;
	s5 =	sshll.u32 s4, $0x5  }
0xc: {  	s4 =	sshll.u32 s4, $0xD;
	s25 =	sshrl.u32 s1, $0x1;
	s5 =	sadd.s32 s5, s0  }
0xd: {  	s7 =	sadd.s32 s4, s0;
	s1 =	ssub.s32 s1, s25;
	s5 =	sadd.s32 $0x1C00, s5  }
0xe: {  	s4 =	sadd.s32 $0x102100, s0;
	s8 =	sadd.s32 $0x2000, s7;
	[dreg:$0x2] =	wrdreg s5  }
0xf: {  	v2 =	vlaneseq.u32;
	s25 =	simm.s32 $0x3100;
	s26 =	sadd.s32 $0x42000, s7;
	[dreg:$0x3] =	wrdreg s8  }
0x10: {  	vm0 =	vmmov $0xffff;
	v1 =	vshrl.u32 v2, $0x3;
	s7 =	smax.u32 s1, $0x1;
	s5 =	sadd.s32 $0x102200, s0;
	[dreg:$0x4] =	wrdreg s26  }
0x11: {  	v0 =	vand.u32 $0x7, v2;
	v2 =	vor.u32 $0x8, v2;
	v1 =	vmul.u32 $0x8, v1;
	s8 =	simm.s32 $0x2;
	s0 =	simm.s32 $0x100;
	s26 =	simm.s32 $0x3900  }
.LBB2_1:
0x12: {  	s19 =	rddreg [dreg:$0x2]  }
0x13: {  	[tilespmem:s2], [sflag:$0x2] =	stream.linear.gather [hbm4b:s19+s2], $0x100, $0x38;
	[tilespmem:$0x10100] =	vst v63  }
0x14: {  	_ =	swait.ge [sflag:s8], $0x100  }
0x15: {  	[sflag:s8] =	ssyncset.done $0x0  }
0x16: {  	[sflag:s8] =	ssyncadd.s32 $0xFFFFFF00  }
0x17: {  	v3 =	vld [tilespmem:$0x0];
	_ =	sdelay $0x4  }
0x18: {  	v4 =	vshll.u32 v3, $0x3  }
0x19: {  	v3 =	vand.u32 $0x7, v3;
	v4 =	vand.u32 $0xFFFFFFC0, v4  }
0x1a: {  	v3 =	vor.u32 v3, v4  }
0x1b: {  	v4 =	vperm.xlane v3, v0;
	_ =	sdelay $0x1  }
0x1c: {  	v4 =	vadd.s32 v1, v4;
	_ =	sdelay $0x4  }
0x1d: {  	[tilespmem:s0], [sflag:$0x1] =	stream.indirect_vreg.gather [hbm4b:s3+s2], $0x80, v4, vm0, $0xb8;
	[tilespmem:$0x10100] =	vst v63  }
0x1e: {  	v3 =	vperm.xlane v3, v2  }
0x1f: {  	[tilespmem:s20], [sflag:$0x1] =	stream.indirect_vreg.gather [hbm4b:s4+s2], $0x80, v4, vm0, $0xb8;
	[tilespmem:$0x10100] =	vst v63  }
0x20: {  	v3 =	vadd.s32 v1, v3  }
0x21: {  	[tilespmem:s21], [sflag:$0x1] =	stream.indirect_vreg.gather [hbm4b:s5+s2], $0x80, v4, vm0, $0xb8;
	[tilespmem:$0x10100] =	vst v63  }
0x22: {  	_ = 	snop  }
0x23: {  	[tilespmem:s22], [sflag:$0x1] =	stream.indirect_vreg.gather [hbm4b:s6+s2], $0x80, v4, vm0, $0xb8;
	[tilespmem:$0x10100] =	vst v63  }
0x24: {  	_ = 	snop  }
0x25: {  	[tilespmem:s23], [sflag:$0x1] =	stream.indirect_vreg.gather [hbm4b:s3+s2], $0x80, v3, vm0, $0xb8;
	[tilespmem:$0x10100] =	vst v63  }
0x26: {  	_ = 	snop  }
0x27: {  	[tilespmem:s24], [sflag:$0x1] =	stream.indirect_vreg.gather [hbm4b:s4+s2], $0x80, v3, vm0, $0xb8;
	[tilespmem:$0x10100] =	vst v63  }
0x28: {  	_ = 	snop  }
0x29: {  	[tilespmem:s25], [sflag:$0x1] =	stream.indirect_vreg.gather [hbm4b:s5+s2], $0x80, v3, vm0, $0xb8;
	[tilespmem:$0x10100] =	vst v63  }
0x2a: {  	_ = 	snop  }
0x2b: {  	[tilespmem:s26], [sflag:$0x1] =	stream.indirect_vreg.gather [hbm4b:s6+s2], $0x80, v3, vm0, $0xb8;
	[tilespmem:$0x10100] =	vst v63  }
0x2c: {  	v3 =	vld [tilespmem:$0x10];
	_ =	sdelay $0x4  }
0x2d: {  	v57 =	vshll.u32 v3, $0x3  }
0x2e: {  	v3 =	vand.u32 $0x7, v3;
	v4 =	vand.u32 $0xFFFFFFC0, v57  }
0x2f: {  	v3 =	vor.u32 v3, v4  }
0x30: {  	v4 =	vperm.xlane v3, v0;
	_ =	sdelay $0x1  }
0x31: {  	v4 =	vadd.s32 v1, v4;
	_ =	sdelay $0x4  }
0x32: {  	[tilespmem:s28], [sflag:$0x1] =	stream.indirect_vreg.gather [hbm4b:s3+s2], $0x80, v4, vm0, $0xb8;
	[tilespmem:$0x10100] =	vst v63  }
0x33: {  	v3 =	vperm.xlane v3, v2  }
0x34: {  	[tilespmem:s29], [sflag:$0x1] =	stream.indirect_vreg.gather [hbm4b:s4+s2], $0x80, v4, vm0, $0xb8;
	[tilespmem:$0x10100] =	vst v63  }
0x35: {  	v3 =	vadd.s32 v1, v3  }
0x36: {  	[tilespmem:s30], [sflag:$0x1] =	stream.indirect_vreg.gather [hbm4b:s5+s2], $0x80, v4, vm0, $0xb8;
	[tilespmem:$0x10100] =	vst v63  }
0x37: {  	_ = 	snop  }
0x38: {  	[tilespmem:s31], [sflag:$0x1] =	stream.indirect_vreg.gather [hbm4b:s6+s2], $0x80, v4, vm0, $0xb8;
	[tilespmem:$0x10100] =	vst v63  }
0x39: {  	s1 =	simm.s32 $0x6100  }
0x3a: {  	[tilespmem:s1], [sflag:$0x1] =	stream.indirect_vreg.gather [hbm4b:s3+s2], $0x80, v3, vm0, $0xb8;
	[tilespmem:$0x10100] =	vst v63  }
0x3b: {  	s1 =	simm.s32 $0x6900  }
0x3c: {  	[tilespmem:s1], [sflag:$0x1] =	stream.indirect_vreg.gather [hbm4b:s4+s2], $0x80, v3, vm0, $0xb8;
	[tilespmem:$0x10100] =	vst v63  }
0x3d: {  	_ = 	snop  }
0x3e: {  	[tilespmem:s10], [sflag:$0x1] =	stream.indirect_vreg.gather [hbm4b:s5+s2], $0x80, v3, vm0, $0xb8;
	[tilespmem:$0x10100] =	vst v63  }
0x3f: {  	_ = 	snop  }
0x40: {  	[tilespmem:s11], [sflag:$0x1] =	stream.indirect_vreg.gather [hbm4b:s6+s2], $0x80, v3, vm0, $0xb8;
	[tilespmem:$0x10100] =	vst v63  }
0x41: {  	v3 =	vld [tilespmem:$0x20];
	_ =	sdelay $0x4  }
0x42: {  	v58 =	vshll.u32 v3, $0x3  }
0x43: {  	v3 =	vand.u32 $0x7, v3;
	v4 =	vand.u32 $0xFFFFFFC0, v58  }
0x44: {  	v3 =	vor.u32 v3, v4  }
0x45: {  	v4 =	vperm.xlane v3, v0;
	_ =	sdelay $0x1  }
0x46: {  	v4 =	vadd.s32 v1, v4;
	_ =	sdelay $0x4  }
0x47: {  	[tilespmem:s12], [sflag:$0x1] =	stream.indirect_vreg.gather [hbm4b:s3+s2], $0x80, v4, vm0, $0xb8;
	[tilespmem:$0x10100] =	vst v63  }
0x48: {  	v3 =	vperm.xlane v3, v2  }
0x49: {  	[tilespmem:s13], [sflag:$0x1] =	stream.indirect_vreg.gather [hbm4b:s4+s2], $0x80, v4, vm0, $0xb8;
	[tilespmem:$0x10100] =	vst v63  }
0x4a: {  	v3 =	vadd.s32 v1, v3  }
0x4b: {  	[tilespmem:s14], [sflag:$0x1] =	stream.indirect_vreg.gather [hbm4b:s5+s2], $0x80, v4, vm0, $0xb8;
	[tilespmem:$0x10100] =	vst v63  }
0x4c: {  	_ = 	snop  }
0x4d: {  	[tilespmem:s15], [sflag:$0x1] =	stream.indirect_vreg.gather [hbm4b:s6+s2], $0x80, v4, vm0, $0xb8;
	[tilespmem:$0x10100] =	vst v63  }
0x4e: {  	_ = 	snop  }
0x4f: {  	[tilespmem:s16], [sflag:$0x1] =	stream.indirect_vreg.gather [hbm4b:s3+s2], $0x80, v3, vm0, $0xb8;
	[tilespmem:$0x10100] =	vst v63  }
0x50: {  	_ = 	snop  }
0x51: {  	[tilespmem:s17], [sflag:$0x1] =	stream.indirect_vreg.gather [hbm4b:s4+s2], $0x80, v3, vm0, $0xb8;
	[tilespmem:$0x10100] =	vst v63  }
0x52: {  	_ = 	snop  }
0x53: {  	[tilespmem:s9], [sflag:$0x1] =	stream.indirect_vreg.gather [hbm4b:s5+s2], $0x80, v3, vm0, $0xb8;
	[tilespmem:$0x10100] =	vst v63  }
0x54: {  	s19 =	simm.s32 $0xB900  }
0x55: {  	[tilespmem:s19], [sflag:$0x1] =	stream.indirect_vreg.gather [hbm4b:s6+s2], $0x80, v3, vm0, $0xb8;
	[tilespmem:$0x10100] =	vst v63  }
0x56: {  	v3 =	vld [tilespmem:$0x30];
	_ =	sdelay $0x4  }
0x57: {  	v59 =	vshll.u32 v3, $0x3  }
0x58: {  	v3 =	vand.u32 $0x7, v3;
	v4 =	vand.u32 $0xFFFFFFC0, v59  }
0x59: {  	v3 =	vor.u32 v3, v4  }
0x5a: {  	v4 =	vperm.xlane v3, v0;
	_ =	sdelay $0x1  }
0x5b: {  	v4 =	vadd.s32 v1, v4;
	_ =	sdelay $0x3  }
0x5c: {  	s19 =	simm.s32 $0xC100  }
0x5d: {  	[tilespmem:s19], [sflag:$0x1] =	stream.indirect_vreg.gather [hbm4b:s3+s2], $0x80, v4, vm0, $0xb8;
	[tilespmem:$0x10100] =	vst v63  }
0x5e: {  	v3 =	vperm.xlane v3, v2;
	s19 =	simm.s32 $0xC900  }
0x5f: {  	[tilespmem:s19], [sflag:$0x1] =	stream.indirect_vreg.gather [hbm4b:s4+s2], $0x80, v4, vm0, $0xb8;
	[tilespmem:$0x10100] =	vst v63  }
0x60: {  	v3 =	vadd.s32 v1, v3;
	s19 =	simm.s32 $0xD100  }
0x61: {  	[tilespmem:s19], [sflag:$0x1] =	stream.indirect_vreg.gather [hbm4b:s5+s2], $0x80, v4, vm0, $0xb8;
	[tilespmem:$0x10100] =	vst v63  }
0x62: {  	s19 =	simm.s32 $0xD900  }
0x63: {  	[tilespmem:s19], [sflag:$0x1] =	stream.indirect_vreg.gather [hbm4b:s6+s2], $0x80, v4, vm0, $0xb8;
	[tilespmem:$0x10100] =	vst v63  }
0x64: {  	s19 =	simm.s32 $0xE100  }
0x65: {  	[tilespmem:s19], [sflag:$0x1] =	stream.indirect_vreg.gather [hbm4b:s3+s2], $0x80, v3, vm0, $0xb8;
	[tilespmem:$0x10100] =	vst v63  }
0x66: {  	s19 =	simm.s32 $0xE900  }
0x67: {  	[tilespmem:s19], [sflag:$0x1] =	stream.indirect_vreg.gather [hbm4b:s4+s2], $0x80, v3, vm0, $0xb8;
	[tilespmem:$0x10100] =	vst v63  }
0x68: {  	s19 =	simm.s32 $0xF100  }
0x69: {  	[tilespmem:s19], [sflag:$0x1] =	stream.indirect_vreg.gather [hbm4b:s5+s2], $0x80, v3, vm0, $0xb8;
	[tilespmem:$0x10100] =	vst v63  }
0x6a: {  	s19 =	simm.s32 $0xF900  }
0x6b: {  	[tilespmem:s19], [sflag:$0x1] =	stream.indirect_vreg.gather [hbm4b:s6+s2], $0x80, v3, vm0, $0xb8;
	[tilespmem:$0x10100] =	vst v63  }
0x6c: {  	_ =	swait.ge [sflag:s18], $0x10000  }
0x6d: {  	[sflag:s18] =	ssyncset.done $0x0  }
0x6e: {  	s19 =	rddreg [dreg:$0x3];
	[sflag:s18] =	ssyncadd.s32 $0xFFFF0000  }
0x6f: {  	[hbm4b:s19+s2] =	stream.linear.scatter [tilespmem:s0], [sflag:$0x2], $0x10000, $0x38;
	[tilespmem:$0x10100] =	vst v63  }
0x70: {  	_ =	swait.ge [sflag:s8], $0x10000  }
0x71: {  	[sflag:s8] =	ssyncset.done $0x0  }
0x72: {  	[sflag:s8] =	ssyncadd.s32 $0xFFFF0000  }
0x73: {  	v3 =	vld [tilespmem:$0x80];
	_ =	sdelay $0x4  }
0x74: {  	v60 =	vshll.u32 v3, $0x3  }
0x75: {  	v3 =	vand.u32 $0x7, v3;
	v4 =	vand.u32 $0xFFFFFFC0, v60  }
0x76: {  	v3 =	vor.u32 v3, v4  }
0x77: {  	v4 =	vperm.xlane v3, v0;
	_ =	sdelay $0x1  }
0x78: {  	v4 =	vadd.s32 v1, v4;
	_ =	sdelay $0x4  }
0x79: {  	[tilespmem:s0], [sflag:$0x1] =	stream.indirect_vreg.gather [hbm4b:s3+s2], $0x80, v4, vm0, $0xb8;
	[tilespmem:$0x10100] =	vst v63  }
0x7a: {  	v3 =	vperm.xlane v3, v2  }
0x7b: {  	[tilespmem:s20], [sflag:$0x1] =	stream.indirect_vreg.gather [hbm4b:s4+s2], $0x80, v4, vm0, $0xb8;
	[tilespmem:$0x10100] =	vst v63  }
0x7c: {  	v3 =	vadd.s32 v1, v3  }
0x7d: {  	[tilespmem:s21], [sflag:$0x1] =	stream.indirect_vreg.gather [hbm4b:s5+s2], $0x80, v4, vm0, $0xb8;
	[tilespmem:$0x10100] =	vst v63  }
0x7e: {  	_ = 	snop  }
0x7f: {  	[tilespmem:s22], [sflag:$0x1] =	stream.indirect_vreg.gather [hbm4b:s6+s2], $0x80, v4, vm0, $0xb8;
	[tilespmem:$0x10100] =	vst v63  }
0x80: {  	_ = 	snop  }
0x81: {  	[tilespmem:s23], [sflag:$0x1] =	stream.indirect_vreg.gather [hbm4b:s3+s2], $0x80, v3, vm0, $0xb8;
	[tilespmem:$0x10100] =	vst v63  }
0x82: {  	_ = 	snop  }
0x83: {  	[tilespmem:s24], [sflag:$0x1] =	stream.indirect_vreg.gather [hbm4b:s4+s2], $0x80, v3, vm0, $0xb8;
	[tilespmem:$0x10100] =	vst v63  }
0x84: {  	_ = 	snop  }
0x85: {  	[tilespmem:s25], [sflag:$0x1] =	stream.indirect_vreg.gather [hbm4b:s5+s2], $0x80, v3, vm0, $0xb8;
	[tilespmem:$0x10100] =	vst v63  }
0x86: {  	_ = 	snop  }
0x87: {  	[tilespmem:s26], [sflag:$0x1] =	stream.indirect_vreg.gather [hbm4b:s6+s2], $0x80, v3, vm0, $0xb8;
	[tilespmem:$0x10100] =	vst v63  }
0x88: {  	v3 =	vld [tilespmem:$0x90];
	_ =	sdelay $0x4  }
0x89: {  	v61 =	vshll.u32 v3, $0x3  }
0x8a: {  	v3 =	vand.u32 $0x7, v3;
	v4 =	vand.u32 $0xFFFFFFC0, v61  }
0x8b: {  	v3 =	vor.u32 v3, v4  }
0x8c: {  	v4 =	vperm.xlane v3, v0;
	_ =	sdelay $0x1  }
0x8d: {  	v4 =	vadd.s32 v1, v4;
	_ =	sdelay $0x4  }
0x8e: {  	[tilespmem:s28], [sflag:$0x1] =	stream.indirect_vreg.gather [hbm4b:s3+s2], $0x80, v4, vm0, $0xb8;
	[tilespmem:$0x10100] =	vst v63  }
0x8f: {  	v3 =	vperm.xlane v3, v2  }
0x90: {  	[tilespmem:s29], [sflag:$0x1] =	stream.indirect_vreg.gather [hbm4b:s4+s2], $0x80, v4, vm0, $0xb8;
	[tilespmem:$0x10100] =	vst v63  }
0x91: {  	v3 =	vadd.s32 v1, v3  }
0x92: {  	[tilespmem:s30], [sflag:$0x1] =	stream.indirect_vreg.gather [hbm4b:s5+s2], $0x80, v4, vm0, $0xb8;
	[tilespmem:$0x10100] =	vst v63  }
0x93: {  	_ = 	snop  }
0x94: {  	[tilespmem:s31], [sflag:$0x1] =	stream.indirect_vreg.gather [hbm4b:s6+s2], $0x80, v4, vm0, $0xb8;
	[tilespmem:$0x10100] =	vst v63  }
0x95: {  	s19 =	simm.s32 $0x6100  }
0x96: {  	[tilespmem:s19], [sflag:$0x1] =	stream.indirect_vreg.gather [hbm4b:s3+s2], $0x80, v3, vm0, $0xb8;
	[tilespmem:$0x10100] =	vst v63  }
0x97: {  	_ = 	snop  }
0x98: {  	[tilespmem:s1], [sflag:$0x1] =	stream.indirect_vreg.gather [hbm4b:s4+s2], $0x80, v3, vm0, $0xb8;
	[tilespmem:$0x10100] =	vst v63  }
0x99: {  	_ = 	snop  }
0x9a: {  	[tilespmem:s10], [sflag:$0x1] =	stream.indirect_vreg.gather [hbm4b:s5+s2], $0x80, v3, vm0, $0xb8;
	[tilespmem:$0x10100] =	vst v63  }
0x9b: {  	_ = 	snop  }
0x9c: {  	[tilespmem:s11], [sflag:$0x1] =	stream.indirect_vreg.gather [hbm4b:s6+s2], $0x80, v3, vm0, $0xb8;
	[tilespmem:$0x10100] =	vst v63  }
0x9d: {  	v3 =	vld [tilespmem:$0xA0];
	_ =	sdelay $0x4  }
0x9e: {  	v62 =	vshll.u32 v3, $0x3  }
0x9f: {  	v3 =	vand.u32 $0x7, v3;
	v4 =	vand.u32 $0xFFFFFFC0, v62  }
0xa0: {  	v3 =	vor.u32 v3, v4  }
0xa1: {  	v4 =	vperm.xlane v3, v0;
	_ =	sdelay $0x1  }
0xa2: {  	v4 =	vadd.s32 v1, v4;
	_ =	sdelay $0x4  }
0xa3: {  	[tilespmem:s12], [sflag:$0x1] =	stream.indirect_vreg.gather [hbm4b:s3+s2], $0x80, v4, vm0, $0xb8;
	[tilespmem:$0x10100] =	vst v63  }
0xa4: {  	v3 =	vperm.xlane v3, v2  }
0xa5: {  	[tilespmem:s13], [sflag:$0x1] =	stream.indirect_vreg.gather [hbm4b:s4+s2], $0x80, v4, vm0, $0xb8;
	[tilespmem:$0x10100] =	vst v63  }
0xa6: {  	v3 =	vadd.s32 v1, v3  }
0xa7: {  	[tilespmem:s14], [sflag:$0x1] =	stream.indirect_vreg.gather [hbm4b:s5+s2], $0x80, v4, vm0, $0xb8;
	[tilespmem:$0x10100] =	vst v63  }
0xa8: {  	_ = 	snop  }
0xa9: {  	[tilespmem:s15], [sflag:$0x1] =	stream.indirect_vreg.gather [hbm4b:s6+s2], $0x80, v4, vm0, $0xb8;
	[tilespmem:$0x10100] =	vst v63  }
0xaa: {  	_ = 	snop  }
0xab: {  	[tilespmem:s16], [sflag:$0x1] =	stream.indirect_vreg.gather [hbm4b:s3+s2], $0x80, v3, vm0, $0xb8;
	[tilespmem:$0x10100] =	vst v63  }
0xac: {  	_ = 	snop  }
0xad: {  	[tilespmem:s17], [sflag:$0x1] =	stream.indirect_vreg.gather [hbm4b:s4+s2], $0x80, v3, vm0, $0xb8;
	[tilespmem:$0x10100] =	vst v63  }
0xae: {  	_ = 	snop  }
0xaf: {  	[tilespmem:s9], [sflag:$0x1] =	stream.indirect_vreg.gather [hbm4b:s5+s2], $0x80, v3, vm0, $0xb8;
	[tilespmem:$0x10100] =	vst v63  }
0xb0: {  	s19 =	simm.s32 $0xB900  }
0xb1: {  	[tilespmem:s19], [sflag:$0x1] =	stream.indirect_vreg.gather [hbm4b:s6+s2], $0x80, v3, vm0, $0xb8;
	[tilespmem:$0x10100] =	vst v63  }
0xb2: {  	v3 =	vld [tilespmem:$0xB0];
	_ =	sdelay $0x4  }
0xb3: {  	v63 =	vshll.u32 v3, $0x3  }
0xb4: {  	v3 =	vand.u32 $0x7, v3;
	v4 =	vand.u32 $0xFFFFFFC0, v63  }
0xb5: {  	v3 =	vor.u32 v3, v4  }
0xb6: {  	v4 =	vperm.xlane v3, v0;
	_ =	sdelay $0x1  }
0xb7: {  	v4 =	vadd.s32 v1, v4;
	_ =	sdelay $0x3  }
0xb8: {  	s19 =	simm.s32 $0xC100  }
0xb9: {  	[tilespmem:s19], [sflag:$0x1] =	stream.indirect_vreg.gather [hbm4b:s3+s2], $0x80, v4, vm0, $0xb8;
	[tilespmem:$0x10100] =	vst v63  }
0xba: {  	v3 =	vperm.xlane v3, v2;
	s19 =	simm.s32 $0xC900  }
0xbb: {  	[tilespmem:s19], [sflag:$0x1] =	stream.indirect_vreg.gather [hbm4b:s4+s2], $0x80, v4, vm0, $0xb8;
	[tilespmem:$0x10100] =	vst v63  }
0xbc: {  	v3 =	vadd.s32 v1, v3;
	s19 =	simm.s32 $0xD100  }
0xbd: {  	[tilespmem:s19], [sflag:$0x1] =	stream.indirect_vreg.gather [hbm4b:s5+s2], $0x80, v4, vm0, $0xb8;
	[tilespmem:$0x10100] =	vst v63  }
0xbe: {  	s19 =	simm.s32 $0xD900  }
0xbf: {  	[tilespmem:s19], [sflag:$0x1] =	stream.indirect_vreg.gather [hbm4b:s6+s2], $0x80, v4, vm0, $0xb8;
	[tilespmem:$0x10100] =	vst v63  }
0xc0: {  	s19 =	simm.s32 $0xE100  }
0xc1: {  	[tilespmem:s19], [sflag:$0x1] =	stream.indirect_vreg.gather [hbm4b:s3+s2], $0x80, v3, vm0, $0xb8;
	[tilespmem:$0x10100] =	vst v63  }
0xc2: {  	s19 =	simm.s32 $0xE900  }
0xc3: {  	[tilespmem:s19], [sflag:$0x1] =	stream.indirect_vreg.gather [hbm4b:s4+s2], $0x80, v3, vm0, $0xb8;
	[tilespmem:$0x10100] =	vst v63  }
0xc4: {  	s19 =	simm.s32 $0xF100  }
0xc5: {  	[tilespmem:s19], [sflag:$0x1] =	stream.indirect_vreg.gather [hbm4b:s5+s2], $0x80, v3, vm0, $0xb8;
	[tilespmem:$0x10100] =	vst v63  }
0xc6: {  	s19 =	simm.s32 $0xF900  }
0xc7: {  	[tilespmem:s19], [sflag:$0x1] =	stream.indirect_vreg.gather [hbm4b:s6+s2], $0x80, v3, vm0, $0xb8;
	[tilespmem:$0x10100] =	vst v63  }
0xc8: {  	_ =	swait.ge [sflag:s18], $0x10000  }
0xc9: {  	p0 =	sne.s32 s7, $0x1;
	[sflag:s18] =	ssyncset.done $0x0  }
.Ltmp0:
0xca: {  	s1 =	rddreg [dreg:$0x4];
	[sflag:s18] =	ssyncadd.s32 $0xFFFF0000;
	(pc) =	sbr.rel @p0 .LBB2_1-.Ltmp0, $4  }
0xcb: {  	[hbm4b:s1+s2] =	stream.linear.scatter [tilespmem:s0], [sflag:$0x2], $0x10000, $0x38;
	[tilespmem:$0x10100] =	vst v63  }
0xcc: {  	_ =	swait.ge [sflag:s8], $0x10000  }
0xcd: {  	[sflag:s8] =	ssyncset.done $0x0  }
0xce: {  	s7 =	sadd.s32 $0xFFFFFFFF, s7;
	[sflag:s8] =	ssyncadd.s32 $0xFFFF0000  }
0xcf: {  	_ =	sfence.sel $0x180000  }
0xd0: {  	[bflag:$0x0] =	sbarrier.arrive $0xFFFF  }
0xd1: {  	_ =	strace $0x9000004A  }
0xd2: {  	s0 =	stileid.u32;
	[bflag:$0x2] =	sbarrier.arrive $0xFFFF  }
0xd3: {  	p0 =	sne.s32 s0, $0x0;
	s0 =	rddreg [dreg:$0x1]  }
0xd4: {  	s0 =	sadd.s32 @!p0 $0x100000, s0  }
0xd5: {  	[sflag:s0] =	ssyncadd.tile.s32 @!p0 $0x1;
	_ =	shalt  }
.Lfunc_end2:
_tile_overlayer_lowered:
.L_overlay_start_2:
0xd6: {  	(tag) =	ssettag $0x2  }
0xd7: {  	s0 =	rddreg [dreg:$0x0];
	s2 =	stileid.u32  }
0xd8: {  	s1 =	rddreg [dreg:$0x1];
	p0 =	sne.s32 s2, $0x0  }
0xd9: {  	s3 =	rddreg [dreg:$0x2];
	[bflag:$0x3] =	sbarrier.arrive $0xFFFF;
	s2 =	simm.s32 @!p0 $0x1C02  }
0xda: {  	[timem:s3], [sflag:s2] =	dma.local @!p0 [hbm:s0], s1  }
0xdb: {  	s0 =	simm.s32 @!p0 $0x2  }
0xdc: {  	_ =	swait.ge @!p0 [sflag:s0], s1  }
0xdd: {  	s1 =	ssub.s32 @!p0 $0x0, s1;
	[sflag:s0] =	ssyncset.done @!p0 $0x0  }
0xde: {  	[sflag:s0] =	ssyncadd.s32 @!p0 s1  }
0xdf: {  	[bflag:$0x3] =	sbarrier.arrive $0xFFFF  }
0xe0: {  	_ =	shalt  }

// kernel: kernel.8.cloned.1.call-start
scs
__scs_entry_jumppad:
0x0: {  	(pc) =	sbr.rel $0x88, $3  }
0x1: {  	(tag) =	ssettag $0x0;
	lr =	simm.s32 $0x1  }
0x2: {  	[smem:$0x3F98] =	sst lr;
	_ =	strace $0xD0000000  }
0x3: {  	_ = 	snop  }
0x4: {  	_ = 	snop  }
0x5: {  	_ = 	snop  }
0x6: {  	_ = 	snop  }
0x7: {  	_ = 	snop  }
__scs_overlays_trampoline_lowered:
0x8: {  	[smem:$0x3FA7] =	sst s0  }
0x9: {  	[smem:$0x3FA8] =	sst s1  }
0xa: {  	[smem:$0x3FA9] =	sst s2  }
0xb: {  	[smem:$0x3FAA] =	sst s3  }
0xc: {  	[smem:$0x3FAB] =	sst s4  }
0xd: {  	[smem:$0x3FAC] =	sst s5  }
0xe: {  	[smem:$0x3FAD] =	sst s6  }
0xf: {  	[smem:$0x3FAE] =	sst s7  }
0x10: {  	[smem:$0x3FAF] =	sst s8  }
0x11: {  	[smem:$0x3FB0] =	sst s9;
	s0 =	simm.s32 @!p0 $0x0  }
0x12: {  	s1 =	sld [smem:$0x3F96];
	s0 =	simm.s32 @p0 $0x1  }
0x13: {  	[smem:$0x3FB1] =	sst s0;
	s0 =	simm.s32 @!p1 $0x0  }
0x14: {  	s2 =	sld [smem:$0x3F95];
	s0 =	simm.s32 @p1 $0x1  }
0x15: {  	[smem:$0x3FB2] =	sst s0;
	s0 =	simm.s32 @!p2 $0x0  }
0x16: {  	s3 =	sld [smem:$0x3FDB];
	s0 =	simm.s32 @p2 $0x1  }
0x17: {  	s4 =	simm.s32 $0x1BF5;
	[smem:$0x3FB4] =	sst s0  }
0x18: {  	s0 =	sld [smem:$0x3F97];
	_ =	swait.ge [sflag:s4], $0x0  }
0x19: {  	s7 =	sld [smem:$0x3F98]  }
0x1a: {  	s8 =	sadd.s32 $0xFFFFE003, lr  }
0x1b: {  	s9 =	sadd.s32 $0xFFFFFEF7, lr;
	s5 =	simm.s32 $0xFFFFFFFF;
	p2 =	slt.u32 s8, $0xFFFFF086  }
0x1c: {  	p1 =	slt.u32 s9, $0xF7A;
	s5 =	simm.s32 @!p2 $0x0  }
0x1d: {  	s5 =	simm.s32 @p1 $0x1;
	p0 =	seq.s32 s7, s2  }
0x1e: {  	s7 =	smul.u32 @!p0 $0xF7A, s2;
	p2 =	seq.s32 @!p0 s5, $0x0  }
0x1f: {  	s9 =	smul.u32 $0xF7A, s1;
	s8 =	simm.s32 @!p0 $0x1BF5;
	p2 =	por !p2, p0  }
0x20: {  	[sflag:s8] =	ssyncset.s32 @!p0 $0xFFFFF086;
	s6 =	sadd.s32 @!p0 s3, s7;
	s7 =	simm.s32 @!p0 $0x108  }
0x21: {  	s3 =	sadd.s32 s3, s9;
	s6 =	sadd.s32 @!p0 $0x88, s6;
	s7 =	simm.s32 @p2 $0x1082  }
0x22: {  	[simem:s7], [sflag:s8] =	dma.local @!p0 [hbm:s6], $0xF7A  }
0x23: {  	s9 =	sor.u32 $0xD0000000, s2;
	s6 =	simm.s32 $0x108;
	_ =	swait.ge @!p0 [sflag:s8], $0x0  }
0x24: {  	s3 =	sadd.s32 $0x88, s3;
	s6 =	simm.s32 @!p1 $0x1082;
	[sflag:s4] =	ssyncset.s32 $0xFFFFF086  }
0x25: {  	[simem:s6], [sflag:s4] =	dma.local [hbm:s3], $0xF7A  }
0x26: {  	[smem:$0x3F98] =	sst s1;
	(tag) =	ssettag s2;
	_ =	strace s9  }
0x27: {  	s1 =	sld [smem:$0x3FA8]  }
0x28: {  	s2 =	sld [smem:$0x3FA9]  }
0x29: {  	s4 =	sld [smem:$0x3FAB]  }
0x2a: {  	p0 =	seq.s32 s5, $0x0;
	s5 =	sld [smem:$0x3FAC]  }
0x2b: {  	s6 =	sld [smem:$0x3FAD]  }
0x2c: {  	s7 =	sld [smem:$0x3FAE]  }
0x2d: {  	s3 =	simm.s32 $0x108;
	s8 =	sld [smem:$0x3FAF]  }
0x2e: {  	s3 =	simm.s32 @!p0 $0x1082;
	s9 =	sld [smem:$0x3FB0]  }
0x2f: {  	lr =	sadd.s32 s0, s3;
	s0 =	sld [smem:$0x3FA7]  }
0x30: {  	s3 =	sld [smem:$0x3FAA]  }
0x31: {  	[smem:$0x3FB3] =	sst s10  }
0x32: {  	s10 =	sld [smem:$0x3FB1];
	_ =	sdelay $0x3  }
0x33: {  	p0 =	seq.s32 s10, $0x1;
	s10 =	sld [smem:$0x3FB3];
	_ =	sdelay $0x3  }
0x34: {  	[smem:$0x3FB3] =	sst s10  }
0x35: {  	s10 =	sld [smem:$0x3FB2];
	_ =	sdelay $0x3  }
0x36: {  	p1 =	seq.s32 s10, $0x1;
	s10 =	sld [smem:$0x3FB3];
	_ =	sdelay $0x3  }
0x37: {  	[smem:$0x3FB3] =	sst s10  }
0x38: {  	s10 =	sld [smem:$0x3FB4]  }
0x39: {  	_ = 	snop;
	(pc) =	sbr.ind lr, $3  }
0x3a: {  	_ = 	snop  }
0x3b: {  	_ = 	snop  }
0x3c: {  	p2 =	seq.s32 s10, $0x1;
	s10 =	sld [smem:$0x3FB3]  }
0x3d: {  	_ =	shalt  }
0x3e: {  	_ =	shalt  }
0x3f: {  	_ =	shalt  }
0x40: {  	_ =	shalt  }
0x41: {  	_ =	shalt  }
0x42: {  	_ =	shalt  }
0x43: {  	_ =	shalt  }
0x44: {  	_ =	shalt  }
0x45: {  	_ =	shalt  }
0x46: {  	_ =	shalt  }
0x47: {  	_ =	shalt  }
0x48: {  	_ =	shalt  }
0x49: {  	_ =	shalt  }
0x4a: {  	_ =	shalt  }
0x4b: {  	_ =	shalt  }
0x4c: {  	_ =	shalt  }
0x4d: {  	_ =	shalt  }
0x4e: {  	_ =	shalt  }
0x4f: {  	_ =	shalt  }
0x50: {  	_ =	shalt  }
0x51: {  	_ =	shalt  }
0x52: {  	_ =	shalt  }
0x53: {  	_ =	shalt  }
0x54: {  	_ =	shalt  }
0x55: {  	_ =	shalt  }
0x56: {  	_ =	shalt  }
0x57: {  	_ =	shalt  }
0x58: {  	_ =	shalt  }
0x59: {  	_ =	shalt  }
0x5a: {  	_ =	shalt  }
0x5b: {  	_ =	shalt  }
0x5c: {  	_ =	shalt  }
0x5d: {  	_ =	shalt  }
0x5e: {  	_ =	shalt  }
0x5f: {  	_ =	shalt  }
0x60: {  	_ =	shalt  }
0x61: {  	_ =	shalt  }
0x62: {  	_ =	shalt  }
0x63: {  	_ =	shalt  }
0x64: {  	_ =	shalt  }
0x65: {  	_ =	shalt  }
0x66: {  	_ =	shalt  }
0x67: {  	_ =	shalt  }
0x68: {  	_ =	shalt  }
0x69: {  	_ =	shalt  }
0x6a: {  	_ =	shalt  }
0x6b: {  	_ =	shalt  }
0x6c: {  	_ =	shalt  }
0x6d: {  	_ =	shalt  }
0x6e: {  	_ =	shalt  }
0x6f: {  	_ =	shalt  }
0x70: {  	_ =	shalt  }
0x71: {  	_ =	shalt  }
0x72: {  	_ =	shalt  }
0x73: {  	_ =	shalt  }
0x74: {  	_ =	shalt  }
0x75: {  	_ =	shalt  }
0x76: {  	_ =	shalt  }
0x77: {  	_ =	shalt  }
0x78: {  	_ =	shalt  }
0x79: {  	_ =	shalt  }
0x7a: {  	_ =	shalt  }
0x7b: {  	_ =	shalt  }
0x7c: {  	_ =	shalt  }
0x7d: {  	_ =	shalt  }
0x7e: {  	_ =	shalt  }
0x7f: {  	_ =	shalt  }
0x80: {  	_ =	shalt  }
0x81: {  	_ =	shalt  }
0x82: {  	_ =	shalt  }
0x83: {  	_ =	shalt  }
0x84: {  	_ =	shalt  }
0x85: {  	_ =	shalt  }
0x86: {  	_ =	shalt  }
0x87: {  	_ =	shalt  }
.Lfunc_end0:
.L_simem_size_0:
called_computation_lowered:
.L_overlay_start_0:
0x88: {  	s2 =	sld [smem:$0x3FD9]  }
0x89: {  	s3 =	sld [smem:$0x3FFE];
	_ =	sdelay $0x1  }
0x8a: {  	s1 =	srdreg.scid  }
0x8b: {  	s0 =	sand.u32 $0x1, s1  }
0x8c: {  	s17 =	sshll.u32 s0, $0xA;
	s2 =	sadd.s32 s3, s2  }
0x8d: {  	s2 =	sadd.s32 s2, s17  }
0x8e: {  	[smem:$0x3FBF] =	sst s2  }
0x8f: {  	_ = 	snop  }
0x90: {  	s2 =	sld [smem:$0x3FC9];
	(tm) =	ssettm $0x1  }
0x91: {  	s18 =	sld [smem:$0x3FFB];
	_ =	sdelay $0x3  }
0x92: {  	_ =	strace s18  }
0x93: {  	s3 =	sld [smem:$0x3FFC];
	_ =	sdelay $0x3  }
0x94: {  	_ =	strace s3  }
0x95: {  	s3 =	sld [smem:$0x3FFD];
	_ =	sdelay $0x3  }
0x96: {  	_ =	strace s3  }
0x97: {  	_ =	strace $0x8FFFFFFF  }
0x98: {  	s19 =	sld [smem:$0x3FDB];
	_ =	sdelay $0x1  }
0x99: {  	s4 =	simm.s32 $_scs_section_size  }
0x9a: {  	s5 =	simm.s32 $_size__tile_overlayer_lowered;
	s6 =	simm.s32 $_tile_overlayer_lowered  }
0x9b: {  	s22 =	simm.s32 $0x1BFF;
	s21 =	sshll.u32 s6, $0x1;
	s3 =	sadd.s32 s4, s19  }
0x9c: {  	s7 =	simm.s32 $0x0;
	s20 =	sshll.u32 s5, $0x1;
	s5 =	sadd.s32 s21, s3  }
0x9d: {  	[timem:s7], [sflag:s22] =	dma.local [hbm:s5], s20  }
0x9e: {  	_ =	swait.ge [sflag:s22], s20  }
0x9f: {  	s4 =	ssub.s32 $0x0, s20;
	[sflag:s22] =	ssyncset.done $0x0  }
0xa0: {  	[sflag:s22] =	ssyncadd.s32 s4;
	_ =	sdelay $0x1  }
0xa1: {  	s23 =	simm.s32 $0x1B8B  }
0xa2: {  	_ =	swait.ge [sflag:s23], $0x1  }
0xa3: {  	[sflag:s23] =	ssyncset.done $0x0  }
0xa4: {  	s25 =	simm.s32 $0x1B8E;
	s24 =	sld [smem:$0x3FFE];
	[sflag:s23] =	ssyncadd.s32 $0xFFFFFFFF  }
0xa5: {  	s26 =	simm.s32 $execute0_lowered;
	[smem:$0x3FD2] =	sst s25  }
0xa6: {  	s5 =	sshll.u32 s26, $0x1;
	_ =	strace $0x80000046;
	[dreg:$0x1] =	wrdreg $0xFFFFFFFF  }
0xa7: {  	s28 =	simm.s32 $_size_execute0_lowered;
	s3 =	sadd.s32 s3, s5;
	[dreg:$0x0] =	wrdreg $0x0  }
0xa8: {  	s5 =	sshll.u32 s28, $0x1;
	[dreg:$0x2] =	wrdreg s3  }
0xa9: {  	[dreg:$0x3] =	wrdreg s5  }
0xaa: {  	[dreg:$0x4] =	wrdreg $0xC0  }
0xab: {  	_ =	task [dreg:s7], $0x5FFFF  }
0xac: {  	[dreg:$0x1] =	wrdreg $0xFFFFFFFF  }
0xad: {  	[dreg:$0x0] =	wrdreg $0x60  }
0xae: {  	[dreg:$0x2] =	wrdreg s2  }
0xaf: {  	[dreg:$0x3] =	wrdreg s24  }
0xb0: {  	[dreg:$0x4] =	wrdreg $0x9  }
0xb1: {  	_ =	task.clear_ibuf [dreg:s7], $0x5FFFF;
	_ =	strace $0x90000046  }
0xb2: {  	s29 =	simm.s32 $0x9;
	_ =	strace $0x80000048  }
0xb3: {  	_ =	swait.ge [sflag:s29], $0x1  }
0xb4: {  	[sflag:s29] =	ssyncadd.s32 $0xFFFFFFFF  }
0xb5: {  	_ =	strace $0x90000048  }
0xb6: {  	_ =	sfence  }
0xb7: {  	s30 =	sld [smem:$0x0];
	_ =	sdelay $0x2  }
0xb8: {  	s31 =	sshll.u32 s1, $0xD;
	s1 =	sshrl.u32 s1, $0x2  }
0xb9: {  	s3 =	sand.u32 $0x4000, s31;
	s1 =	sadd.s32 s1, s30  }
0xba: {  	s0 =	sor.u32 s3, s0;
	s1 =	sshll.u32 s1, $0x11  }
0xbb: {  	s0 =	sor.u32 s1, s0  }
0xbc: {  	s0 =	sadd.s32 $0x8F2B, s0  }
0xbd: {  	[sflag:s0] =	ssyncadd.remote.s32 $0x1  }
0xbe: {  	_ =	sfence.sel $0xFFFF  }
0xbf: {  	[dreg:$0x0] =	wrdreg $0xFFFFFFFF;
	(pc) =	sbr.abs _section_cstart, $3  }
0xc0: {  	[dreg:$0x1] =	wrdreg $0xFFFFFFFF  }
0xc1: {  	_ =	task.clear_ibuf [dreg:s7], $0x2FFFF;
	_ =	strace $0x9FFFFFFF  }
0xc2: {  	(tm) =	ssettm $0x7FFFFFFF  }
0xc3: {  	_ =	shalt  }
tec
execute0_lowered:
.L_overlay_start_1:
0x0: {  	(tag) =	ssettag $0x1  }
0x1: {  	s0 =	rddreg [dreg:$0x0]  }
0x2: {  	s1 =	rddreg [dreg:$0x1];
	s3 =	srdreg.scid  }
0x3: {  	s4 =	stileid.u32;
	s2 =	simm.s32 $0x0;
	s18 =	simm.s32 $0x100  }
0x4: {  	s21 =	simm.s32 $0x1100;
	s22 =	simm.s32 $0x1900;
	s23 =	simm.s32 $0x2100  }
0x5: {  	s24 =	simm.s32 $0x2900;
	s28 =	simm.s32 $0x4100;
	s29 =	simm.s32 $0x4900  }
0x6: {  	s30 =	simm.s32 $0x5100;
	s31 =	simm.s32 $0x5900;
	s10 =	simm.s32 $0x7100  }
0x7: {  	s11 =	simm.s32 $0x7900;
	s12 =	simm.s32 $0x8100;
	s13 =	simm.s32 $0x8900  }
0x8: {  	s14 =	simm.s32 $0x9100;
	s15 =	simm.s32 $0x9900;
	s16 =	simm.s32 $0xA100  }
0x9: {  	s17 =	simm.s32 $0xA900;
	s8 =	simm.s32 $0xB100;
	s19 =	simm.s32 $0xB900  }
0xa: {  	s3 =	sand.u32 $0x1, s3;
	s4 =	sshll.u32 s4, $0x1;
	[smem:$0x7FF] =	sst s2  }
0xb: {  	s9 =	simm.s32 $0xC100;
	s4 =	sor.u32 s3, s4;
	_ =	strace $0x80000047  }
0xc: {  	s6 =	ssub.s32 $0x2, s3;
	s3 =	sadd.s32 $0x2000, s1;
	s5 =	sshll.u32 s4, $0x5  }
0xd: {  	s4 =	sshll.u32 s4, $0xD;
	s25 =	sshrl.u32 s6, $0x1;
	s5 =	sadd.s32 s5, s1  }
0xe: {  	s0 =	sadd.s32 s0, s4;
	s7 =	ssub.s32 s6, s25;
	s4 =	sadd.s32 $0x2100, s1  }
0xf: {  	v2 =	vlaneseq.u32;
	s6 =	sadd.s32 $0x2300, s1;
	s25 =	simm.s32 $0x3100;
	[dreg:$0x3] =	wrdreg s0  }
0x10: {  	vm0 =	vmmov $0xffff;
	v1 =	vshrl.u32 v2, $0x3;
	s26 =	sadd.s32 $0x1C00, s5;
	s5 =	sadd.s32 $0x2200, s1;
	s7 =	smax.u32 s7, $0x1  }
0x11: {  	v0 =	vand.u32 $0x7, v2;
	v2 =	vor.u32 $0x8, v2;
	v1 =	vmul.u32 $0x8, v1;
	s1 =	simm.s32 $0x6900;
	[dreg:$0x4] =	wrdreg s26;
	s26 =	simm.s32 $0x3900  }
.LBB2_1:
0x12: {  	s20 =	rddreg [dreg:$0x3];
	s0 =	simm.s32 $0x3  }
0x13: {  	[tilespmem:s18], [sflag:$0x3] =	stream.linear.gather [hbm4b:s20+s2], $0x10000, $0x38;
	[tilespmem:$0x10100] =	vst v63  }
0x14: {  	_ =	swait.ge [sflag:s0], $0x10000  }
0x15: {  	[sflag:s0] =	ssyncset.done $0x0  }
0x16: {  	s20 =	rddreg [dreg:$0x4];
	[sflag:s0] =	ssyncadd.s32 $0xFFFF0000  }
0x17: {  	[tilespmem:s2], [sflag:$0x3] =	stream.linear.gather [hbm4b:s20+s2], $0x100, $0x38;
	[tilespmem:$0x10100] =	vst v63  }
0x18: {  	_ =	swait.ge [sflag:s0], $0x100  }
0x19: {  	[sflag:s0] =	ssyncset.done $0x0  }
0x1a: {  	[sflag:s0] =	ssyncadd.s32 $0xFFFFFF00  }
0x1b: {  	v3 =	vld [tilespmem:$0x0];
	_ =	sdelay $0x4  }
0x1c: {  	v4 =	vshll.u32 v3, $0x3  }
0x1d: {  	v3 =	vand.u32 $0x7, v3;
	v4 =	vand.u32 $0xFFFFFFC0, v4  }
0x1e: {  	v3 =	vor.u32 v3, v4  }
0x1f: {  	v4 =	vperm.xlane v3, v0;
	_ =	sdelay $0x1  }
0x20: {  	v4 =	vadd.s32 v1, v4;
	_ =	sdelay $0x4  }
0x21: {  	[hbm4b:s3+s2] =	stream.indirect_vreg.scatter [tilespmem:s18], [sflag:$0x1], $0x80, v4, vm0, $0xb8;
	[tilespmem:$0x10100] =	vst v63  }
0x22: {  	s20 =	simm.s32 $0x900;
	v3 =	vperm.xlane v3, v2  }
0x23: {  	[hbm4b:s4+s2] =	stream.indirect_vreg.scatter [tilespmem:s20], [sflag:$0x1], $0x80, v4, vm0, $0xb8;
	[tilespmem:$0x10100] =	vst v63  }
0x24: {  	v3 =	vadd.s32 v1, v3  }
0x25: {  	[hbm4b:s5+s2] =	stream.indirect_vreg.scatter [tilespmem:s21], [sflag:$0x1], $0x80, v4, vm0, $0xb8;
	[tilespmem:$0x10100] =	vst v63  }
0x26: {  	_ = 	snop  }
0x27: {  	[hbm4b:s6+s2] =	stream.indirect_vreg.scatter [tilespmem:s22], [sflag:$0x1], $0x80, v4, vm0, $0xb8;
	[tilespmem:$0x10100] =	vst v63  }
0x28: {  	_ = 	snop  }
0x29: {  	[hbm4b:s3+s2] =	stream.indirect_vreg.scatter [tilespmem:s23], [sflag:$0x1], $0x80, v3, vm0, $0xb8;
	[tilespmem:$0x10100] =	vst v63  }
0x2a: {  	_ = 	snop  }
0x2b: {  	[hbm4b:s4+s2] =	stream.indirect_vreg.scatter [tilespmem:s24], [sflag:$0x1], $0x80, v3, vm0, $0xb8;
	[tilespmem:$0x10100] =	vst v63  }
0x2c: {  	_ = 	snop  }
0x2d: {  	[hbm4b:s5+s2] =	stream.indirect_vreg.scatter [tilespmem:s25], [sflag:$0x1], $0x80, v3, vm0, $0xb8;
	[tilespmem:$0x10100] =	vst v63  }
0x2e: {  	_ = 	snop  }
0x2f: {  	[hbm4b:s6+s2] =	stream.indirect_vreg.scatter [tilespmem:s26], [sflag:$0x1], $0x80, v3, vm0, $0xb8;
	[tilespmem:$0x10100] =	vst v63  }
0x30: {  	v3 =	vld [tilespmem:$0x10];
	_ =	sdelay $0x4  }
0x31: {  	v57 =	vshll.u32 v3, $0x3  }
0x32: {  	v3 =	vand.u32 $0x7, v3;
	v4 =	vand.u32 $0xFFFFFFC0, v57  }
0x33: {  	v3 =	vor.u32 v3, v4  }
0x34: {  	v4 =	vperm.xlane v3, v0;
	_ =	sdelay $0x1  }
0x35: {  	v4 =	vadd.s32 v1, v4;
	_ =	sdelay $0x4  }
0x36: {  	[hbm4b:s3+s2] =	stream.indirect_vreg.scatter [tilespmem:s28], [sflag:$0x1], $0x80, v4, vm0, $0xb8;
	[tilespmem:$0x10100] =	vst v63  }
0x37: {  	v3 =	vperm.xlane v3, v2  }
0x38: {  	[hbm4b:s4+s2] =	stream.indirect_vreg.scatter [tilespmem:s29], [sflag:$0x1], $0x80, v4, vm0, $0xb8;
	[tilespmem:$0x10100] =	vst v63  }
0x39: {  	v3 =	vadd.s32 v1, v3  }
0x3a: {  	[hbm4b:s5+s2] =	stream.indirect_vreg.scatter [tilespmem:s30], [sflag:$0x1], $0x80, v4, vm0, $0xb8;
	[tilespmem:$0x10100] =	vst v63  }
0x3b: {  	_ = 	snop  }
0x3c: {  	[hbm4b:s6+s2] =	stream.indirect_vreg.scatter [tilespmem:s31], [sflag:$0x1], $0x80, v4, vm0, $0xb8;
	[tilespmem:$0x10100] =	vst v63  }
0x3d: {  	s0 =	simm.s32 $0x6100  }
0x3e: {  	[hbm4b:s3+s2] =	stream.indirect_vreg.scatter [tilespmem:s0], [sflag:$0x1], $0x80, v3, vm0, $0xb8;
	[tilespmem:$0x10100] =	vst v63  }
0x3f: {  	_ = 	snop  }
0x40: {  	[hbm4b:s4+s2] =	stream.indirect_vreg.scatter [tilespmem:s1], [sflag:$0x1], $0x80, v3, vm0, $0xb8;
	[tilespmem:$0x10100] =	vst v63  }
0x41: {  	_ = 	snop  }
0x42: {  	[hbm4b:s5+s2] =	stream.indirect_vreg.scatter [tilespmem:s10], [sflag:$0x1], $0x80, v3, vm0, $0xb8;
	[tilespmem:$0x10100] =	vst v63  }
0x43: {  	_ = 	snop  }
0x44: {  	[hbm4b:s6+s2] =	stream.indirect_vreg.scatter [tilespmem:s11], [sflag:$0x1], $0x80, v3, vm0, $0xb8;
	[tilespmem:$0x10100] =	vst v63  }
0x45: {  	v3 =	vld [tilespmem:$0x20];
	_ =	sdelay $0x4  }
0x46: {  	v58 =	vshll.u32 v3, $0x3  }
0x47: {  	v3 =	vand.u32 $0x7, v3;
	v4 =	vand.u32 $0xFFFFFFC0, v58  }
0x48: {  	v3 =	vor.u32 v3, v4  }
0x49: {  	v4 =	vperm.xlane v3, v0;
	_ =	sdelay $0x1  }
0x4a: {  	v4 =	vadd.s32 v1, v4;
	_ =	sdelay $0x4  }
0x4b: {  	[hbm4b:s3+s2] =	stream.indirect_vreg.scatter [tilespmem:s12], [sflag:$0x1], $0x80, v4, vm0, $0xb8;
	[tilespmem:$0x10100] =	vst v63  }
0x4c: {  	v3 =	vperm.xlane v3, v2  }
0x4d: {  	[hbm4b:s4+s2] =	stream.indirect_vreg.scatter [tilespmem:s13], [sflag:$0x1], $0x80, v4, vm0, $0xb8;
	[tilespmem:$0x10100] =	vst v63  }
0x4e: {  	v3 =	vadd.s32 v1, v3  }
0x4f: {  	[hbm4b:s5+s2] =	stream.indirect_vreg.scatter [tilespmem:s14], [sflag:$0x1], $0x80, v4, vm0, $0xb8;
	[tilespmem:$0x10100] =	vst v63  }
0x50: {  	_ = 	snop  }
0x51: {  	[hbm4b:s6+s2] =	stream.indirect_vreg.scatter [tilespmem:s15], [sflag:$0x1], $0x80, v4, vm0, $0xb8;
	[tilespmem:$0x10100] =	vst v63  }
0x52: {  	_ = 	snop  }
0x53: {  	[hbm4b:s3+s2] =	stream.indirect_vreg.scatter [tilespmem:s16], [sflag:$0x1], $0x80, v3, vm0, $0xb8;
	[tilespmem:$0x10100] =	vst v63  }
0x54: {  	_ = 	snop  }
0x55: {  	[hbm4b:s4+s2] =	stream.indirect_vreg.scatter [tilespmem:s17], [sflag:$0x1], $0x80, v3, vm0, $0xb8;
	[tilespmem:$0x10100] =	vst v63  }
0x56: {  	_ = 	snop  }
0x57: {  	[hbm4b:s5+s2] =	stream.indirect_vreg.scatter [tilespmem:s8], [sflag:$0x1], $0x80, v3, vm0, $0xb8;
	[tilespmem:$0x10100] =	vst v63  }
0x58: {  	_ = 	snop  }
0x59: {  	[hbm4b:s6+s2] =	stream.indirect_vreg.scatter [tilespmem:s19], [sflag:$0x1], $0x80, v3, vm0, $0xb8;
	[tilespmem:$0x10100] =	vst v63  }
0x5a: {  	v3 =	vld [tilespmem:$0x30];
	_ =	sdelay $0x4  }
0x5b: {  	v59 =	vshll.u32 v3, $0x3  }
0x5c: {  	v3 =	vand.u32 $0x7, v3;
	v4 =	vand.u32 $0xFFFFFFC0, v59  }
0x5d: {  	v3 =	vor.u32 v3, v4  }
0x5e: {  	v4 =	vperm.xlane v3, v0;
	_ =	sdelay $0x1  }
0x5f: {  	v4 =	vadd.s32 v1, v4;
	_ =	sdelay $0x4  }
0x60: {  	[hbm4b:s3+s2] =	stream.indirect_vreg.scatter [tilespmem:s9], [sflag:$0x1], $0x80, v4, vm0, $0xb8;
	[tilespmem:$0x10100] =	vst v63  }
0x61: {  	s0 =	simm.s32 $0xC900;
	v3 =	vperm.xlane v3, v2  }
0x62: {  	[hbm4b:s4+s2] =	stream.indirect_vreg.scatter [tilespmem:s0], [sflag:$0x1], $0x80, v4, vm0, $0xb8;
	[tilespmem:$0x10100] =	vst v63  }
0x63: {  	v3 =	vadd.s32 v1, v3;
	s0 =	simm.s32 $0xD100  }
0x64: {  	[hbm4b:s5+s2] =	stream.indirect_vreg.scatter [tilespmem:s0], [sflag:$0x1], $0x80, v4, vm0, $0xb8;
	[tilespmem:$0x10100] =	vst v63  }
0x65: {  	s0 =	simm.s32 $0xD900  }
0x66: {  	[hbm4b:s6+s2] =	stream.indirect_vreg.scatter [tilespmem:s0], [sflag:$0x1], $0x80, v4, vm0, $0xb8;
	[tilespmem:$0x10100] =	vst v63  }
0x67: {  	s0 =	simm.s32 $0xE100  }
0x68: {  	[hbm4b:s3+s2] =	stream.indirect_vreg.scatter [tilespmem:s0], [sflag:$0x1], $0x80, v3, vm0, $0xb8;
	[tilespmem:$0x10100] =	vst v63  }
0x69: {  	s0 =	simm.s32 $0xE900  }
0x6a: {  	[hbm4b:s4+s2] =	stream.indirect_vreg.scatter [tilespmem:s0], [sflag:$0x1], $0x80, v3, vm0, $0xb8;
	[tilespmem:$0x10100] =	vst v63  }
0x6b: {  	s0 =	simm.s32 $0xF100  }
0x6c: {  	[hbm4b:s5+s2] =	stream.indirect_vreg.scatter [tilespmem:s0], [sflag:$0x1], $0x80, v3, vm0, $0xb8;
	[tilespmem:$0x10100] =	vst v63  }
0x6d: {  	s0 =	simm.s32 $0xF900  }
0x6e: {  	[hbm4b:s6+s2] =	stream.indirect_vreg.scatter [tilespmem:s0], [sflag:$0x1], $0x80, v3, vm0, $0xb8;
	[tilespmem:$0x10100] =	vst v63  }
0x6f: {  	v3 =	vld [tilespmem:$0x80];
	_ =	sdelay $0x4  }
0x70: {  	v60 =	vshll.u32 v3, $0x3  }
0x71: {  	v3 =	vand.u32 $0x7, v3;
	v4 =	vand.u32 $0xFFFFFFC0, v60  }
0x72: {  	v3 =	vor.u32 v3, v4  }
0x73: {  	v4 =	vperm.xlane v3, v0;
	_ =	sdelay $0x1  }
0x74: {  	v4 =	vadd.s32 v1, v4;
	_ =	sdelay $0x4  }
0x75: {  	[hbm4b:s3+s2] =	stream.indirect_vreg.scatter [tilespmem:s18], [sflag:$0x2], $0x80, v4, vm0, $0xb8;
	[tilespmem:$0x10100] =	vst v63  }
0x76: {  	v3 =	vperm.xlane v3, v2  }
0x77: {  	[hbm4b:s4+s2] =	stream.indirect_vreg.scatter [tilespmem:s20], [sflag:$0x2], $0x80, v4, vm0, $0xb8;
	[tilespmem:$0x10100] =	vst v63  }
0x78: {  	v3 =	vadd.s32 v1, v3  }
0x79: {  	[hbm4b:s5+s2] =	stream.indirect_vreg.scatter [tilespmem:s21], [sflag:$0x2], $0x80, v4, vm0, $0xb8;
	[tilespmem:$0x10100] =	vst v63  }
0x7a: {  	_ = 	snop  }
0x7b: {  	[hbm4b:s6+s2] =	stream.indirect_vreg.scatter [tilespmem:s22], [sflag:$0x2], $0x80, v4, vm0, $0xb8;
	[tilespmem:$0x10100] =	vst v63  }
0x7c: {  	_ = 	snop  }
0x7d: {  	[hbm4b:s3+s2] =	stream.indirect_vreg.scatter [tilespmem:s23], [sflag:$0x2], $0x80, v3, vm0, $0xb8;
	[tilespmem:$0x10100] =	vst v63  }
0x7e: {  	_ = 	snop  }
0x7f: {  	[hbm4b:s4+s2] =	stream.indirect_vreg.scatter [tilespmem:s24], [sflag:$0x2], $0x80, v3, vm0, $0xb8;
	[tilespmem:$0x10100] =	vst v63  }
0x80: {  	_ = 	snop  }
0x81: {  	[hbm4b:s5+s2] =	stream.indirect_vreg.scatter [tilespmem:s25], [sflag:$0x2], $0x80, v3, vm0, $0xb8;
	[tilespmem:$0x10100] =	vst v63  }
0x82: {  	_ = 	snop  }
0x83: {  	[hbm4b:s6+s2] =	stream.indirect_vreg.scatter [tilespmem:s26], [sflag:$0x2], $0x80, v3, vm0, $0xb8;
	[tilespmem:$0x10100] =	vst v63  }
0x84: {  	v3 =	vld [tilespmem:$0x90];
	_ =	sdelay $0x4  }
0x85: {  	v61 =	vshll.u32 v3, $0x3  }
0x86: {  	v3 =	vand.u32 $0x7, v3;
	v4 =	vand.u32 $0xFFFFFFC0, v61  }
0x87: {  	v3 =	vor.u32 v3, v4  }
0x88: {  	v4 =	vperm.xlane v3, v0;
	_ =	sdelay $0x1  }
0x89: {  	v4 =	vadd.s32 v1, v4;
	_ =	sdelay $0x4  }
0x8a: {  	[hbm4b:s3+s2] =	stream.indirect_vreg.scatter [tilespmem:s28], [sflag:$0x2], $0x80, v4, vm0, $0xb8;
	[tilespmem:$0x10100] =	vst v63  }
0x8b: {  	v3 =	vperm.xlane v3, v2  }
0x8c: {  	[hbm4b:s4+s2] =	stream.indirect_vreg.scatter [tilespmem:s29], [sflag:$0x2], $0x80, v4, vm0, $0xb8;
	[tilespmem:$0x10100] =	vst v63  }
0x8d: {  	v3 =	vadd.s32 v1, v3  }
0x8e: {  	[hbm4b:s5+s2] =	stream.indirect_vreg.scatter [tilespmem:s30], [sflag:$0x2], $0x80, v4, vm0, $0xb8;
	[tilespmem:$0x10100] =	vst v63  }
0x8f: {  	_ = 	snop  }
0x90: {  	[hbm4b:s6+s2] =	stream.indirect_vreg.scatter [tilespmem:s31], [sflag:$0x2], $0x80, v4, vm0, $0xb8;
	[tilespmem:$0x10100] =	vst v63  }
0x91: {  	s20 =	simm.s32 $0x6100  }
0x92: {  	[hbm4b:s3+s2] =	stream.indirect_vreg.scatter [tilespmem:s20], [sflag:$0x2], $0x80, v3, vm0, $0xb8;
	[tilespmem:$0x10100] =	vst v63  }
0x93: {  	_ = 	snop  }
0x94: {  	[hbm4b:s4+s2] =	stream.indirect_vreg.scatter [tilespmem:s1], [sflag:$0x2], $0x80, v3, vm0, $0xb8;
	[tilespmem:$0x10100] =	vst v63  }
0x95: {  	_ = 	snop  }
0x96: {  	[hbm4b:s5+s2] =	stream.indirect_vreg.scatter [tilespmem:s10], [sflag:$0x2], $0x80, v3, vm0, $0xb8;
	[tilespmem:$0x10100] =	vst v63  }
0x97: {  	_ = 	snop  }
0x98: {  	[hbm4b:s6+s2] =	stream.indirect_vreg.scatter [tilespmem:s11], [sflag:$0x2], $0x80, v3, vm0, $0xb8;
	[tilespmem:$0x10100] =	vst v63  }
0x99: {  	v3 =	vld [tilespmem:$0xA0];
	_ =	sdelay $0x4  }
0x9a: {  	v62 =	vshll.u32 v3, $0x3  }
0x9b: {  	v3 =	vand.u32 $0x7, v3;
	v4 =	vand.u32 $0xFFFFFFC0, v62  }
0x9c: {  	v3 =	vor.u32 v3, v4  }
0x9d: {  	v4 =	vperm.xlane v3, v0;
	_ =	sdelay $0x1  }
0x9e: {  	v4 =	vadd.s32 v1, v4;
	_ =	sdelay $0x4  }
0x9f: {  	[hbm4b:s3+s2] =	stream.indirect_vreg.scatter [tilespmem:s12], [sflag:$0x2], $0x80, v4, vm0, $0xb8;
	[tilespmem:$0x10100] =	vst v63  }
0xa0: {  	v3 =	vperm.xlane v3, v2  }
0xa1: {  	[hbm4b:s4+s2] =	stream.indirect_vreg.scatter [tilespmem:s13], [sflag:$0x2], $0x80, v4, vm0, $0xb8;
	[tilespmem:$0x10100] =	vst v63  }
0xa2: {  	v3 =	vadd.s32 v1, v3  }
0xa3: {  	[hbm4b:s5+s2] =	stream.indirect_vreg.scatter [tilespmem:s14], [sflag:$0x2], $0x80, v4, vm0, $0xb8;
	[tilespmem:$0x10100] =	vst v63  }
0xa4: {  	_ = 	snop  }
0xa5: {  	[hbm4b:s6+s2] =	stream.indirect_vreg.scatter [tilespmem:s15], [sflag:$0x2], $0x80, v4, vm0, $0xb8;
	[tilespmem:$0x10100] =	vst v63  }
0xa6: {  	_ = 	snop  }
0xa7: {  	[hbm4b:s3+s2] =	stream.indirect_vreg.scatter [tilespmem:s16], [sflag:$0x2], $0x80, v3, vm0, $0xb8;
	[tilespmem:$0x10100] =	vst v63  }
0xa8: {  	_ = 	snop  }
0xa9: {  	[hbm4b:s4+s2] =	stream.indirect_vreg.scatter [tilespmem:s17], [sflag:$0x2], $0x80, v3, vm0, $0xb8;
	[tilespmem:$0x10100] =	vst v63  }
0xaa: {  	_ = 	snop  }
0xab: {  	[hbm4b:s5+s2] =	stream.indirect_vreg.scatter [tilespmem:s8], [sflag:$0x2], $0x80, v3, vm0, $0xb8;
	[tilespmem:$0x10100] =	vst v63  }
0xac: {  	_ = 	snop  }
0xad: {  	[hbm4b:s6+s2] =	stream.indirect_vreg.scatter [tilespmem:s19], [sflag:$0x2], $0x80, v3, vm0, $0xb8;
	[tilespmem:$0x10100] =	vst v63  }
0xae: {  	v3 =	vld [tilespmem:$0xB0];
	_ =	sdelay $0x4  }
0xaf: {  	v63 =	vshll.u32 v3, $0x3  }
0xb0: {  	v3 =	vand.u32 $0x7, v3;
	v4 =	vand.u32 $0xFFFFFFC0, v63  }
0xb1: {  	v3 =	vor.u32 v3, v4  }
0xb2: {  	v4 =	vperm.xlane v3, v0;
	_ =	sdelay $0x1  }
0xb3: {  	v4 =	vadd.s32 v1, v4;
	_ =	sdelay $0x4  }
0xb4: {  	[hbm4b:s3+s2] =	stream.indirect_vreg.scatter [tilespmem:s9], [sflag:$0x2], $0x80, v4, vm0, $0xb8;
	[tilespmem:$0x10100] =	vst v63  }
0xb5: {  	s20 =	simm.s32 $0xC900;
	v3 =	vperm.xlane v3, v2  }
0xb6: {  	[hbm4b:s4+s2] =	stream.indirect_vreg.scatter [tilespmem:s20], [sflag:$0x2], $0x80, v4, vm0, $0xb8;
	[tilespmem:$0x10100] =	vst v63  }
0xb7: {  	v3 =	vadd.s32 v1, v3;
	s20 =	simm.s32 $0xD100  }
0xb8: {  	[hbm4b:s5+s2] =	stream.indirect_vreg.scatter [tilespmem:s20], [sflag:$0x2], $0x80, v4, vm0, $0xb8;
	[tilespmem:$0x10100] =	vst v63  }
0xb9: {  	s20 =	simm.s32 $0xD900  }
0xba: {  	[hbm4b:s6+s2] =	stream.indirect_vreg.scatter [tilespmem:s20], [sflag:$0x2], $0x80, v4, vm0, $0xb8;
	[tilespmem:$0x10100] =	vst v63  }
0xbb: {  	s20 =	simm.s32 $0xE100  }
0xbc: {  	[hbm4b:s3+s2] =	stream.indirect_vreg.scatter [tilespmem:s20], [sflag:$0x2], $0x80, v3, vm0, $0xb8;
	[tilespmem:$0x10100] =	vst v63  }
0xbd: {  	s20 =	simm.s32 $0xE900  }
0xbe: {  	[hbm4b:s4+s2] =	stream.indirect_vreg.scatter [tilespmem:s20], [sflag:$0x2], $0x80, v3, vm0, $0xb8;
	[tilespmem:$0x10100] =	vst v63  }
0xbf: {  	s20 =	simm.s32 $0xF100  }
0xc0: {  	[hbm4b:s5+s2] =	stream.indirect_vreg.scatter [tilespmem:s20], [sflag:$0x2], $0x80, v3, vm0, $0xb8;
	[tilespmem:$0x10100] =	vst v63  }
0xc1: {  	s20 =	simm.s32 $0xF900  }
0xc2: {  	[hbm4b:s6+s2] =	stream.indirect_vreg.scatter [tilespmem:s20], [sflag:$0x2], $0x80, v3, vm0, $0xb8;
	[tilespmem:$0x10100] =	vst v63  }
0xc3: {  	s20 =	simm.s32 $0x1  }
0xc4: {  	p0 =	sne.s32 s7, $0x1;
	_ =	swait.ge [sflag:s20], $0x10000  }
.Ltmp0:
0xc5: {  	[sflag:s20] =	ssyncset.done $0x0;
	(pc) =	sbr.rel @p0 .LBB2_1-.Ltmp0, $4  }
0xc6: {  	[sflag:s20] =	ssyncadd.s32 $0xFFFF0000;
	s20 =	simm.s32 $0x2  }
0xc7: {  	_ =	swait.ge [sflag:s20], $0x10000  }
0xc8: {  	[sflag:s20] =	ssyncset.done $0x0  }
0xc9: {  	s7 =	sadd.s32 $0xFFFFFFFF, s7;
	[sflag:s20] =	ssyncadd.s32 $0xFFFF0000  }
0xca: {  	_ =	sfence.sel $0x180000  }
0xcb: {  	[bflag:$0x0] =	sbarrier.arrive $0xFFFF  }
0xcc: {  	_ =	strace $0x90000047  }
0xcd: {  	s0 =	stileid.u32;
	[bflag:$0x2] =	sbarrier.arrive $0xFFFF  }
0xce: {  	p0 =	sne.s32 s0, $0x0;
	s0 =	rddreg [dreg:$0x2]  }
0xcf: {  	s0 =	sadd.s32 @!p0 $0x100000, s0  }
0xd0: {  	[sflag:s0] =	ssyncadd.tile.s32 @!p0 $0x1;
	_ =	shalt  }
.Lfunc_end2:
_tile_overlayer_lowered:
.L_overlay_start_2:
0xd1: {  	(tag) =	ssettag $0x2  }
0xd2: {  	s0 =	rddreg [dreg:$0x0];
	s2 =	stileid.u32  }
0xd3: {  	s1 =	rddreg [dreg:$0x1];
	p0 =	sne.s32 s2, $0x0  }
0xd4: {  	s3 =	rddreg [dreg:$0x2];
	[bflag:$0x3] =	sbarrier.arrive $0xFFFF;
	s2 =	simm.s32 @!p0 $0x1C03  }
0xd5: {  	[timem:s3], [sflag:s2] =	dma.local @!p0 [hbm:s0], s1  }
0xd6: {  	s0 =	simm.s32 @!p0 $0x3  }
0xd7: {  	_ =	swait.ge @!p0 [sflag:s0], s1  }
0xd8: {  	s1 =	ssub.s32 @!p0 $0x0, s1;
	[sflag:s0] =	ssyncset.done @!p0 $0x0  }
0xd9: {  	[sflag:s0] =	ssyncadd.s32 @!p0 s1  }
0xda: {  	[bflag:$0x3] =	sbarrier.arrive $0xFFFF  }
0xdb: {  	_ =	shalt  }

</sc_bundles>
